<compile_context>
chip_gen: v7x
topology: tpu7x:2x2x1
jax: 0.10.2.dev20260603
libtpu: 0.0.44.dev20260713+nightly
codegen_flags: <defaults>
</compile_context>

<pallas_src>
import functools

import jax
import jax.numpy as jnp
from jax import lax
from jax.experimental import pallas as pl
from jax.experimental.pallas import tpu as pltpu
from jax.experimental.pallas import tpu_sc as plsc

F = 26
B = 16384
V = 100000
D = 16

NC = 2
NS = 16
NW = NC * NS
SLICES = F * D
PER_W = SLICES // NW
BC = 4096
NB = B // BC
UNROLL = 8

_mesh = plsc.VectorSubcoreMesh(core_axis_name="c", subcore_axis_name="s")


@functools.partial(
    pl.kernel,
    mesh=_mesh,
    compiler_params=pltpu.CompilerParams(
        use_tc_tiling_on_sc=True, needs_layout_passes=False
    ),
    out_type=jax.ShapeDtypeStruct((F * D, B), jnp.float32),
    scratch_types=[
        pltpu.VMEM((V,), jnp.float32),
        pltpu.VMEM((2, BC), jnp.int32),
        pltpu.VMEM((2, BC), jnp.float32),
        pltpu.SemaphoreType.DMA,
        pltpu.SemaphoreType.DMA,
        pltpu.SemaphoreType.DMA,
        pltpu.SemaphoreType.DMA,
        pltpu.SemaphoreType.DMA,
    ],
)
def _slice_gather(
    ids_hbm, tabt_hbm, out_hbm, col_v, idx_v, row_v,
    sem_col, sem_i0, sem_i1, sem_o0, sem_o1,
):
    wid = lax.axis_index("s") * NC + lax.axis_index("c")
    sem_i = (sem_i0, sem_i1)
    sem_o = (sem_o0, sem_o1)

    def slice_body(j, carry):
        s = wid * PER_W + j
        f = s // D
        d = s % D
        col_dma = pltpu.async_copy(tabt_hbm.at[f, d], col_v, sem_col)
        ids_dma = pltpu.async_copy(
            ids_hbm.at[f, pl.ds(0, BC)], idx_v.at[0], sem_i[0]
        )
        col_dma.wait()

        for cb in range(NB):
            b = cb % 2
            if cb + 1 < NB:
                nxt = pltpu.async_copy(
                    ids_hbm.at[f, pl.ds((cb + 1) * BC, BC)],
                    idx_v.at[(cb + 1) % 2],
                    sem_i[(cb + 1) % 2],
                )
            ids_dma.wait()
            if cb + 1 < NB:
                ids_dma = nxt

            drain = pltpu.make_async_copy(
                row_v.at[b], out_hbm.at[s, pl.ds(cb * BC, BC)], sem_o[b]
            )
            if cb >= 2:
                drain.wait()
            else:
                @pl.when(j > 0)
                def _():
                    drain.wait()

            @plsc.parallel_loop(0, BC // 16, unroll=UNROLL)
            def _(i, _b=b):
                off = i * 16
                idx = idx_v[_b, pl.ds(off, 16)]
                row_v[_b, pl.ds(off, 16)] = plsc.load_gather(col_v, [idx])

            pltpu.async_copy(
                row_v.at[b], out_hbm.at[s, pl.ds(cb * BC, BC)], sem_o[b]
            )
        return carry

    lax.fori_loop(0, PER_W, slice_body, 0)

    last = NW * PER_W - 1
    for b in range(2):
        pltpu.make_async_copy(
            row_v.at[b], out_hbm.at[last, pl.ds(b * BC, BC)], sem_o[b]
        ).wait()


def kernel(ids, tables):
    tabt = jnp.transpose(tables, (0, 2, 1))
    out_t = _slice_gather(ids, tabt)
    return out_t.T

# --- scband reference (transcript-rebuilt; emitter-appended) ---
"""Pipeline reference for scband-ad-embedder-19275813224703 (READ-ONLY COPY).

The authoritative reference and input builder live on the scoring server;
editing this copy changes nothing except your own understanding.
"""

import jax, jax.numpy as jnp
import numpy as np

F = 26       # n_sparse_fields
B = 16384    # batch
V = 100000   # num_classes per feature
D = 16       # embedding_dim


def setup_inputs(seed: int = 0) -> dict:
    key = jax.random.key(seed)
    k_ids, k_tab = jax.random.split(key)
    # batch of categorical ids, one row per feature field (AdBatch NamedTuple flattened)
    ids = jax.random.randint(k_ids, (F, B), 0, V, dtype=jnp.int32)
    # stacked embedding tables: one [V, D] table per feature (nn.Embedding weights)
    tables = jax.random.normal(k_tab, (F, V, D), dtype=jnp.float32) * 0.02
    return {"ids": ids, "tables": tables}


def reference(ids, tables):
    # per-feature embedding lookup: tables[f][ids[f]] -> [F, B, D]
    emb = jax.vmap(lambda t, i: jnp.take(t, i, axis=0))(tables, ids)
    # torch.cat(x, axis=-1) over features in field order -> [B, F*D]
    out = jnp.transpose(emb, (1, 0, 2)).reshape(ids.shape[1], -1)
    return out

if __name__ == "__main__":
    import jax
    _d = setup_inputs()
    print(jax.jit(kernel)(*tuple(_d.values())))

</pallas_src>

<mosaic_0001>
#map = affine_map<(d0, d1) -> (0, 0)>
#map1 = affine_map<(d0, d1) -> (0, 0, 0)>
module attributes {stable_mosaic.version = 14 : i64} {
  func.func @_slice_gather(%arg0: i32, %arg1: i32, %arg2: memref<26x16384xi32, #tpu.memory_space<hbm>>, %arg3: memref<26x16x100000xf32, #tpu.memory_space<hbm>>, %arg4: memref<416x16384xf32, #tpu.memory_space<hbm>>, %arg5: memref<100000xf32, #tpu.memory_space<vmem>>, %arg6: memref<2x4096xi32, #tpu.memory_space<vmem>>, %arg7: memref<2x4096xf32, #tpu.memory_space<vmem>>, %arg8: memref<!tpu.dma_semaphore, #tpu.memory_space<semaphore_mem>>, %arg9: memref<!tpu.dma_semaphore, #tpu.memory_space<semaphore_mem>>, %arg10: memref<!tpu.dma_semaphore, #tpu.memory_space<semaphore_mem>>, %arg11: memref<!tpu.dma_semaphore, #tpu.memory_space<semaphore_mem>>, %arg12: memref<!tpu.dma_semaphore, #tpu.memory_space<semaphore_mem>>) attributes {dimension_semantics = [#tpu.dimension_semantics<core_parallel>, #tpu.dimension_semantics<subcore_parallel>], iteration_bounds = array<i64: 2, 16>, scalar_prefetch = 0 : i64, scratch_operands = 8 : i64, tpu.core_type = #tpu.core_type<sc_vector_subcore>, window_params = [{transform_indices = #map}, {transform_indices = #map1}, {transform_indices = #map}]} {
    %mul3A = arith.constant 2 : i32
    %mul3A_0 = arith.muli %arg1, %mul3A : i32
    %add3A = arith.addi %mul3A_0, %arg0 : i32
    %scan3A = arith.constant 0 : i32
    %scan3A_1 = arith.constant 0 : i32
    %scan3A_2 = arith.constant 13 : i32
    %scan3A_3 = arith.addi %scan3A_1, %scan3A_2 : i32
    %scan3A_4 = arith.constant 1 : i32
    scf.for %scan3A_33 = %scan3A_1 to %scan3A_3 step %scan3A_4  : i32 {
      %mul3A_34 = arith.constant 13 : i32
      %mul3A_35 = arith.muli %add3A, %mul3A_34 : i32
      %add3A_36 = arith.addi %mul3A_35, %scan3A_33 : i32
      %jit3A = arith.constant 16 : i32
      %div3A = arith.divsi %add3A_36, %jit3A : i32
      %sign3A = arith.constant 0 : i32
      %sign3A_37 = arith.cmpi sgt, %add3A_36, %sign3A : i32
      %sign3A_38 = arith.extui %sign3A_37 : i1 to i32
      %sign3A_39 = arith.constant 0 : i32
      %sign3A_40 = arith.cmpi slt, %add3A_36, %sign3A_39 : i32
      %sign3A_41 = arith.extui %sign3A_40 : i1 to i32
      %sign3A_42 = arith.subi %sign3A_38, %sign3A_41 : i32
      %sign3A_43 = arith.constant 0 : i32
      %sign3A_44 = arith.cmpi sgt, %jit3A, %sign3A_43 : i32
      %sign3A_45 = arith.extui %sign3A_44 : i1 to i32
      %sign3A_46 = arith.constant 0 : i32
      %sign3A_47 = arith.cmpi slt, %jit3A, %sign3A_46 : i32
      %sign3A_48 = arith.extui %sign3A_47 : i1 to i32
      %sign3A_49 = arith.subi %sign3A_45, %sign3A_48 : i32
      %ne3A = arith.cmpi ne, %sign3A_42, %sign3A_49 : i32
      %rem3A = arith.remsi %add3A_36, %jit3A : i32
      %ne3A_50 = arith.constant 0 : i32
      %ne3A_51 = arith.cmpi ne, %rem3A, %ne3A_50 : i32
      %and3A = arith.andi %ne3A, %ne3A_51 : i1
      %sub3A = arith.constant 1 : i32
      %sub3A_52 = arith.subi %div3A, %sub3A : i32
      %select_n3A = arith.select %and3A, %sub3A_52, %div3A : i32
      %jit3A_53 = arith.constant 16 : i32
      %eq3A = arith.constant 0 : i32
      %eq3A_54 = arith.cmpi eq, %jit3A_53, %eq3A : i32
      %jit3A_55 = arith.constant 1 : i32
      %select_n3A_56 = arith.select %eq3A_54, %jit3A_55, %jit3A_53 : i32
      %rem3A_57 = arith.remsi %add3A_36, %select_n3A_56 : i32
      %ne3A_58 = arith.constant 0 : i32
      %ne3A_59 = arith.cmpi ne, %rem3A_57, %ne3A_58 : i32
      %lt3A = arith.constant 0 : i32
      %lt3A_60 = arith.cmpi slt, %rem3A_57, %lt3A : i32
      %lt3A_61 = arith.constant 0 : i32
      %lt3A_62 = arith.cmpi slt, %select_n3A_56, %lt3A_61 : i32
      %ne3A_63 = arith.xori %lt3A_60, %lt3A_62 : i1
      %and3A_64 = arith.andi %ne3A_63, %ne3A_59 : i1
      %add3A_65 = arith.addi %rem3A_57, %select_n3A_56 : i32
      %select_n3A_66 = arith.select %and3A_64, %add3A_65, %rem3A_57 : i32
      %dma_start3A = arith.constant 0 : i32
      %dma_start3A_67 = tpu.memref_slice %arg3[%select_n3A, %select_n3A_66, %dma_start3A] : memref<26x16x100000xf32, #tpu.memory_space<hbm>> -> memref<1x1x100000xf32, #tpu.memory_space<hbm>>
      %dma_start3A_68 = tpu.memref_squeeze %dma_start3A_67 : memref<1x1x100000xf32, #tpu.memory_space<hbm>> -> memref<100000xf32, #tpu.memory_space<hbm>>
      %dma_start3A_69 = arith.constant 0 : i32
      %dma_start3A_70 = tpu.memref_slice %arg3[%select_n3A, %select_n3A_66, %dma_start3A_69] : memref<26x16x100000xf32, #tpu.memory_space<hbm>> -> memref<1x1x100000xf32, #tpu.memory_space<hbm>>
      %dma_start3A_71 = tpu.memref_squeeze %dma_start3A_70 : memref<1x1x100000xf32, #tpu.memory_space<hbm>> -> memref<100000xf32, #tpu.memory_space<hbm>>
      tpu.enqueue_dma source(%dma_start3A_71 : memref<100000xf32, #tpu.memory_space<hbm>>) target(%arg5 : memref<100000xf32, #tpu.memory_space<vmem>>) target_semaphore(%arg8 : memref<!tpu.dma_semaphore, #tpu.memory_space<semaphore_mem>>)
      %dma_start3A_72 = arith.constant 0 : i32
      %dma_start3A_73 = arith.constant 0 : i32
      %dma_start3A_74 = tpu.memref_slice %arg6[%dma_start3A_72, %dma_start3A_73] : memref<2x4096xi32, #tpu.memory_space<vmem>> -> memref<1x4096xi32, #tpu.memory_space<vmem>>
      %dma_start3A_75 = tpu.memref_squeeze %dma_start3A_74 : memref<1x4096xi32, #tpu.memory_space<vmem>> -> memref<4096xi32, #tpu.memory_space<vmem>>
      %dma_start3A_76 = arith.constant 0 : i32
      %dma_start3A_77 = tpu.memref_slice %arg2[%select_n3A, %dma_start3A_76] : memref<26x16384xi32, #tpu.memory_space<hbm>> -> memref<1x4096xi32, #tpu.memory_space<hbm>>
      %dma_start3A_78 = tpu.memref_squeeze %dma_start3A_77 : memref<1x4096xi32, #tpu.memory_space<hbm>> -> memref<4096xi32, #tpu.memory_space<hbm>>
      %dma_start3A_79 = arith.constant 0 : i32
      %dma_start3A_80 = tpu.memref_slice %arg6[%dma_start3A_72, %dma_start3A_79] : memref<2x4096xi32, #tpu.memory_space<vmem>> -> memref<1x4096xi32, #tpu.memory_space<vmem>>
      %dma_start3A_81 = tpu.memref_squeeze %dma_start3A_80 : memref<1x4096xi32, #tpu.memory_space<vmem>> -> memref<4096xi32, #tpu.memory_space<vmem>>
      %dma_start3A_82 = arith.constant 0 : i32
      %dma_start3A_83 = tpu.memref_slice %arg2[%select_n3A, %dma_start3A_82] : memref<26x16384xi32, #tpu.memory_space<hbm>> -> memref<1x4096xi32, #tpu.memory_space<hbm>>
      %dma_start3A_84 = tpu.memref_squeeze %dma_start3A_83 : memref<1x4096xi32, #tpu.memory_space<hbm>> -> memref<4096xi32, #tpu.memory_space<hbm>>
      tpu.enqueue_dma source(%dma_start3A_84 : memref<4096xi32, #tpu.memory_space<hbm>>) target(%dma_start3A_81 : memref<4096xi32, #tpu.memory_space<vmem>>) target_semaphore(%arg9 : memref<!tpu.dma_semaphore, #tpu.memory_space<semaphore_mem>>)
      %dma_wait3A_85 = arith.constant 0 : i32
      %dma_wait3A_86 = tpu.memref_slice %arg3[%select_n3A, %select_n3A_66, %dma_wait3A_85] : memref<26x16x100000xf32, #tpu.memory_space<hbm>> -> memref<1x1x100000xf32, #tpu.memory_space<hbm>>
      %dma_wait3A_87 = tpu.memref_squeeze %dma_wait3A_86 : memref<1x1x100000xf32, #tpu.memory_space<hbm>> -> memref<100000xf32, #tpu.memory_space<hbm>>
      %dma_wait3A_88 = arith.constant 0 : i32
      %dma_wait3A_89 = tpu.memref_slice %arg3[%select_n3A, %select_n3A_66, %dma_wait3A_88] : memref<26x16x100000xf32, #tpu.memory_space<hbm>> -> memref<1x1x100000xf32, #tpu.memory_space<hbm>>
      %dma_wait3A_90 = tpu.memref_squeeze %dma_wait3A_89 : memref<1x1x100000xf32, #tpu.memory_space<hbm>> -> memref<100000xf32, #tpu.memory_space<hbm>>
      tpu.wait_dma2 semaphore(%arg8 : memref<!tpu.dma_semaphore, #tpu.memory_space<semaphore_mem>>) src(%dma_wait3A_90 : memref<100000xf32, #tpu.memory_space<hbm>>) dst(%arg5 : memref<100000xf32, #tpu.memory_space<vmem>>)
      %dma_start3A_91 = arith.constant 1 : i32
      %dma_start3A_92 = arith.constant 0 : i32
      %dma_start3A_93 = tpu.memref_slice %arg6[%dma_start3A_91, %dma_start3A_92] : memref<2x4096xi32, #tpu.memory_space<vmem>> -> memref<1x4096xi32, #tpu.memory_space<vmem>>
      %dma_start3A_94 = tpu.memref_squeeze %dma_start3A_93 : memref<1x4096xi32, #tpu.memory_space<vmem>> -> memref<4096xi32, #tpu.memory_space<vmem>>
      %dma_start3A_95 = arith.constant 4096 : i32
      %dma_start3A_96 = tpu.memref_slice %arg2[%select_n3A, %dma_start3A_95] : memref<26x16384xi32, #tpu.memory_space<hbm>> -> memref<1x4096xi32, #tpu.memory_space<hbm>>
      %dma_start3A_97 = tpu.memref_squeeze %dma_start3A_96 : memref<1x4096xi32, #tpu.memory_space<hbm>> -> memref<4096xi32, #tpu.memory_space<hbm>>
      %dma_start3A_98 = arith.constant 0 : i32
      %dma_start3A_99 = tpu.memref_slice %arg6[%dma_start3A_91, %dma_start3A_98] : memref<2x4096xi32, #tpu.memory_space<vmem>> -> memref<1x4096xi32, #tpu.memory_space<vmem>>
      %dma_start3A_100 = tpu.memref_squeeze %dma_start3A_99 : memref<1x4096xi32, #tpu.memory_space<vmem>> -> memref<4096xi32, #tpu.memory_space<vmem>>
      %dma_start3A_101 = arith.constant 4096 : i32
      %dma_start3A_102 = tpu.memref_slice %arg2[%select_n3A, %dma_start3A_101] : memref<26x16384xi32, #tpu.memory_space<hbm>> -> memref<1x4096xi32, #tpu.memory_space<hbm>>
      %dma_start3A_103 = tpu.memref_squeeze %dma_start3A_102 : memref<1x4096xi32, #tpu.memory_space<hbm>> -> memref<4096xi32, #tpu.memory_space<hbm>>
      tpu.enqueue_dma source(%dma_start3A_103 : memref<4096xi32, #tpu.memory_space<hbm>>) target(%dma_start3A_100 : memref<4096xi32, #tpu.memory_space<vmem>>) target_semaphore(%arg10 : memref<!tpu.dma_semaphore, #tpu.memory_space<semaphore_mem>>)
      %dma_wait3A_104 = arith.constant 0 : i32
      %dma_wait3A_105 = arith.constant 0 : i32
      %dma_wait3A_106 = tpu.memref_slice %arg6[%dma_wait3A_104, %dma_wait3A_105] : memref<2x4096xi32, #tpu.memory_space<vmem>> -> memref<1x4096xi32, #tpu.memory_space<vmem>>
      %dma_wait3A_107 = tpu.memref_squeeze %dma_wait3A_106 : memref<1x4096xi32, #tpu.memory_space<vmem>> -> memref<4096xi32, #tpu.memory_space<vmem>>
      %dma_wait3A_108 = arith.constant 0 : i32
      %dma_wait3A_109 = tpu.memref_slice %arg2[%select_n3A, %dma_wait3A_108] : memref<26x16384xi32, #tpu.memory_space<hbm>> -> memref<1x4096xi32, #tpu.memory_space<hbm>>
      %dma_wait3A_110 = tpu.memref_squeeze %dma_wait3A_109 : memref<1x4096xi32, #tpu.memory_space<hbm>> -> memref<4096xi32, #tpu.memory_space<hbm>>
      %dma_wait3A_111 = arith.constant 0 : i32
      %dma_wait3A_112 = tpu.memref_slice %arg6[%dma_wait3A_104, %dma_wait3A_111] : memref<2x4096xi32, #tpu.memory_space<vmem>> -> memref<1x4096xi32, #tpu.memory_space<vmem>>
      %dma_wait3A_113 = tpu.memref_squeeze %dma_wait3A_112 : memref<1x4096xi32, #tpu.memory_space<vmem>> -> memref<4096xi32, #tpu.memory_space<vmem>>
      %dma_wait3A_114 = arith.constant 0 : i32
      %dma_wait3A_115 = tpu.memref_slice %arg2[%select_n3A, %dma_wait3A_114] : memref<26x16384xi32, #tpu.memory_space<hbm>> -> memref<1x4096xi32, #tpu.memory_space<hbm>>
      %dma_wait3A_116 = tpu.memref_squeeze %dma_wait3A_115 : memref<1x4096xi32, #tpu.memory_space<hbm>> -> memref<4096xi32, #tpu.memory_space<hbm>>
      tpu.wait_dma2 semaphore(%arg9 : memref<!tpu.dma_semaphore, #tpu.memory_space<semaphore_mem>>) src(%dma_wait3A_116 : memref<4096xi32, #tpu.memory_space<hbm>>) dst(%dma_wait3A_113 : memref<4096xi32, #tpu.memory_space<vmem>>)
      %gt3A = arith.constant 0 : i32
      %gt3A_117 = arith.cmpi sgt, %scan3A_33, %gt3A : i32
      %convert_element_type3A = arith.extui %gt3A_117 : i1 to i32
      %cond3A = arith.constant 0 : i32
      %cond3A_118 = arith.constant 0 : i32
      %cond3A_119 = arith.cmpi ne, %convert_element_type3A, %cond3A_118 : i32
      scf.if %cond3A_119 {
        %dma_wait3A_280 = arith.constant 0 : i32
        %dma_wait3A_281 = tpu.memref_slice %arg7[%cond3A, %dma_wait3A_280] : memref<2x4096xf32, #tpu.memory_space<vmem>> -> memref<1x4096xf32, #tpu.memory_space<vmem>>
        %dma_wait3A_282 = tpu.memref_squeeze %dma_wait3A_281 : memref<1x4096xf32, #tpu.memory_space<vmem>> -> memref<4096xf32, #tpu.memory_space<vmem>>
        %dma_wait3A_283 = arith.constant 0 : i32
        %dma_wait3A_284 = tpu.memref_slice %arg4[%add3A_36, %dma_wait3A_283] : memref<416x16384xf32, #tpu.memory_space<hbm>> -> memref<1x4096xf32, #tpu.memory_space<hbm>>
        %dma_wait3A_285 = tpu.memref_squeeze %dma_wait3A_284 : memref<1x4096xf32, #tpu.memory_space<hbm>> -> memref<4096xf32, #tpu.memory_space<hbm>>
        %dma_wait3A_286 = arith.constant 0 : i32
        %dma_wait3A_287 = tpu.memref_slice %arg4[%add3A_36, %dma_wait3A_286] : memref<416x16384xf32, #tpu.memory_space<hbm>> -> memref<1x4096xf32, #tpu.memory_space<hbm>>
        %dma_wait3A_288 = tpu.memref_squeeze %dma_wait3A_287 : memref<1x4096xf32, #tpu.memory_space<hbm>> -> memref<4096xf32, #tpu.memory_space<hbm>>
        %dma_wait3A_289 = arith.constant 0 : i32
        %dma_wait3A_290 = tpu.memref_slice %arg7[%cond3A, %dma_wait3A_289] : memref<2x4096xf32, #tpu.memory_space<vmem>> -> memref<1x4096xf32, #tpu.memory_space<vmem>>
        %dma_wait3A_291 = tpu.memref_squeeze %dma_wait3A_290 : memref<1x4096xf32, #tpu.memory_space<vmem>> -> memref<4096xf32, #tpu.memory_space<vmem>>
        tpu.wait_dma2 semaphore(%arg11 : memref<!tpu.dma_semaphore, #tpu.memory_space<semaphore_mem>>) src(%dma_wait3A_291 : memref<4096xf32, #tpu.memory_space<vmem>>) dst(%dma_wait3A_288 : memref<4096xf32, #tpu.memory_space<hbm>>)
      } else {
      }
      %parallel_loop3A = arith.constant 0 : i32
      %parallel_loop3A_120 = arith.constant 256 : i32
      %parallel_loop3A_121 = arith.constant 1 : i32
      scf.for %parallel_loop3A_280 = %parallel_loop3A to %parallel_loop3A_120 step %parallel_loop3A_121  : i32 {
        %parallel_loop3A_281 = arith.constant 16 : i32
        %parallel_loop3A_282 = arith.muli %parallel_loop3A_280, %parallel_loop3A_281 : i32
        %parallel_loop3A_283 = arith.constant 0 : i32
        %parallel_loop3A_284 = arith.index_cast %parallel_loop3A_283 : i32 to index
        %parallel_loop3A_285 = arith.index_cast %parallel_loop3A_282 : i32 to index
        %parallel_loop3A_286 = tpu.vector_load %arg6[%parallel_loop3A_284, %parallel_loop3A_285] {strides = array<i32>} : memref<2x4096xi32, #tpu.memory_space<vmem>>, vector<16xi32>,
        %parallel_loop3A_287 = tpu.vector_load_idx %arg5[%parallel_loop3A_286] : memref<100000xf32, #tpu.memory_space<vmem>>[vector<16xi32>], vector<16xf32>,
        %parallel_loop3A_288 = arith.constant 0 : i32
        %parallel_loop3A_289 = arith.index_cast %parallel_loop3A_288 : i32 to index
        %parallel_loop3A_290 = arith.index_cast %parallel_loop3A_282 : i32 to index
        %parallel_loop3A_291 = tpu.vector_load %arg7[%parallel_loop3A_289, %parallel_loop3A_290] {strides = array<i32>} : memref<2x4096xf32, #tpu.memory_space<vmem>>, vector<16xf32>,
        tpu.vector_store %arg7[%parallel_loop3A_289, %parallel_loop3A_290], %parallel_loop3A_287 {strides = array<i32>} : memref<2x4096xf32, #tpu.memory_space<vmem>>, vector<16xf32>,
      } {sc.loop_unroll_factor = 8 : i64, sc.parallel_access}
      %dma_start3A_122 = arith.constant 0 : i32
      %dma_start3A_123 = arith.constant 0 : i32
      %dma_start3A_124 = tpu.memref_slice %arg7[%dma_start3A_122, %dma_start3A_123] : memref<2x4096xf32, #tpu.memory_space<vmem>> -> memref<1x4096xf32, #tpu.memory_space<vmem>>
      %dma_start3A_125 = tpu.memref_squeeze %dma_start3A_124 : memref<1x4096xf32, #tpu.memory_space<vmem>> -> memref<4096xf32, #tpu.memory_space<vmem>>
      %dma_start3A_126 = arith.constant 0 : i32
      %dma_start3A_127 = tpu.memref_slice %arg4[%add3A_36, %dma_start3A_126] : memref<416x16384xf32, #tpu.memory_space<hbm>> -> memref<1x4096xf32, #tpu.memory_space<hbm>>
      %dma_start3A_128 = tpu.memref_squeeze %dma_start3A_127 : memref<1x4096xf32, #tpu.memory_space<hbm>> -> memref<4096xf32, #tpu.memory_space<hbm>>
      %dma_start3A_129 = arith.constant 0 : i32
      %dma_start3A_130 = tpu.memref_slice %arg4[%add3A_36, %dma_start3A_129] : memref<416x16384xf32, #tpu.memory_space<hbm>> -> memref<1x4096xf32, #tpu.memory_space<hbm>>
      %dma_start3A_131 = tpu.memref_squeeze %dma_start3A_130 : memref<1x4096xf32, #tpu.memory_space<hbm>> -> memref<4096xf32, #tpu.memory_space<hbm>>
      %dma_start3A_132 = arith.constant 0 : i32
      %dma_start3A_133 = tpu.memref_slice %arg7[%dma_start3A_122, %dma_start3A_132] : memref<2x4096xf32, #tpu.memory_space<vmem>> -> memref<1x4096xf32, #tpu.memory_space<vmem>>
      %dma_start3A_134 = tpu.memref_squeeze %dma_start3A_133 : memref<1x4096xf32, #tpu.memory_space<vmem>> -> memref<4096xf32, #tpu.memory_space<vmem>>
      tpu.enqueue_dma source(%dma_start3A_134 : memref<4096xf32, #tpu.memory_space<vmem>>) target(%dma_start3A_131 : memref<4096xf32, #tpu.memory_space<hbm>>) target_semaphore(%arg11 : memref<!tpu.dma_semaphore, #tpu.memory_space<semaphore_mem>>)
      %dma_start3A_135 = arith.constant 0 : i32
      %dma_start3A_136 = arith.constant 0 : i32
      %dma_start3A_137 = tpu.memref_slice %arg6[%dma_start3A_135, %dma_start3A_136] : memref<2x4096xi32, #tpu.memory_space<vmem>> -> memref<1x4096xi32, #tpu.memory_space<vmem>>
      %dma_start3A_138 = tpu.memref_squeeze %dma_start3A_137 : memref<1x4096xi32, #tpu.memory_space<vmem>> -> memref<4096xi32, #tpu.memory_space<vmem>>
      %dma_start3A_139 = arith.constant 8192 : i32
      %dma_start3A_140 = tpu.memref_slice %arg2[%select_n3A, %dma_start3A_139] : memref<26x16384xi32, #tpu.memory_space<hbm>> -> memref<1x4096xi32, #tpu.memory_space<hbm>>
      %dma_start3A_141 = tpu.memref_squeeze %dma_start3A_140 : memref<1x4096xi32, #tpu.memory_space<hbm>> -> memref<4096xi32, #tpu.memory_space<hbm>>
      %dma_start3A_142 = arith.constant 0 : i32
      %dma_start3A_143 = tpu.memref_slice %arg6[%dma_start3A_135, %dma_start3A_142] : memref<2x4096xi32, #tpu.memory_space<vmem>> -> memref<1x4096xi32, #tpu.memory_space<vmem>>
      %dma_start3A_144 = tpu.memref_squeeze %dma_start3A_143 : memref<1x4096xi32, #tpu.memory_space<vmem>> -> memref<4096xi32, #tpu.memory_space<vmem>>
      %dma_start3A_145 = arith.constant 8192 : i32
      %dma_start3A_146 = tpu.memref_slice %arg2[%select_n3A, %dma_start3A_145] : memref<26x16384xi32, #tpu.memory_space<hbm>> -> memref<1x4096xi32, #tpu.memory_space<hbm>>
      %dma_start3A_147 = tpu.memref_squeeze %dma_start3A_146 : memref<1x4096xi32, #tpu.memory_space<hbm>> -> memref<4096xi32, #tpu.memory_space<hbm>>
      tpu.enqueue_dma source(%dma_start3A_147 : memref<4096xi32, #tpu.memory_space<hbm>>) target(%dma_start3A_144 : memref<4096xi32, #tpu.memory_space<vmem>>) target_semaphore(%arg9 : memref<!tpu.dma_semaphore, #tpu.memory_space<semaphore_mem>>)
      %dma_wait3A_148 = arith.constant 1 : i32
      %dma_wait3A_149 = arith.constant 0 : i32
      %dma_wait3A_150 = tpu.memref_slice %arg6[%dma_wait3A_148, %dma_wait3A_149] : memref<2x4096xi32, #tpu.memory_space<vmem>> -> memref<1x4096xi32, #tpu.memory_space<vmem>>
      %dma_wait3A_151 = tpu.memref_squeeze %dma_wait3A_150 : memref<1x4096xi32, #tpu.memory_space<vmem>> -> memref<4096xi32, #tpu.memory_space<vmem>>
      %dma_wait3A_152 = arith.constant 4096 : i32
      %dma_wait3A_153 = tpu.memref_slice %arg2[%select_n3A, %dma_wait3A_152] : memref<26x16384xi32, #tpu.memory_space<hbm>> -> memref<1x4096xi32, #tpu.memory_space<hbm>>
      %dma_wait3A_154 = tpu.memref_squeeze %dma_wait3A_153 : memref<1x4096xi32, #tpu.memory_space<hbm>> -> memref<4096xi32, #tpu.memory_space<hbm>>
      %dma_wait3A_155 = arith.constant 0 : i32
      %dma_wait3A_156 = tpu.memref_slice %arg6[%dma_wait3A_148, %dma_wait3A_155] : memref<2x4096xi32, #tpu.memory_space<vmem>> -> memref<1x4096xi32, #tpu.memory_space<vmem>>
      %dma_wait3A_157 = tpu.memref_squeeze %dma_wait3A_156 : memref<1x4096xi32, #tpu.memory_space<vmem>> -> memref<4096xi32, #tpu.memory_space<vmem>>
      %dma_wait3A_158 = arith.constant 4096 : i32
      %dma_wait3A_159 = tpu.memref_slice %arg2[%select_n3A, %dma_wait3A_158] : memref<26x16384xi32, #tpu.memory_space<hbm>> -> memref<1x4096xi32, #tpu.memory_space<hbm>>
      %dma_wait3A_160 = tpu.memref_squeeze %dma_wait3A_159 : memref<1x4096xi32, #tpu.memory_space<hbm>> -> memref<4096xi32, #tpu.memory_space<hbm>>
      tpu.wait_dma2 semaphore(%arg10 : memref<!tpu.dma_semaphore, #tpu.memory_space<semaphore_mem>>) src(%dma_wait3A_160 : memref<4096xi32, #tpu.memory_space<hbm>>) dst(%dma_wait3A_157 : memref<4096xi32, #tpu.memory_space<vmem>>)
      %gt3A_161 = arith.constant 0 : i32
      %gt3A_162 = arith.cmpi sgt, %scan3A_33, %gt3A_161 : i32
      %convert_element_type3A_163 = arith.extui %gt3A_162 : i1 to i32
      %cond3A_164 = arith.constant 1 : i32
      %cond3A_165 = arith.constant 0 : i32
      %cond3A_166 = arith.cmpi ne, %convert_element_type3A_163, %cond3A_165 : i32
      scf.if %cond3A_166 {
        %dma_wait3A_280 = arith.constant 0 : i32
        %dma_wait3A_281 = tpu.memref_slice %arg7[%cond3A_164, %dma_wait3A_280] : memref<2x4096xf32, #tpu.memory_space<vmem>> -> memref<1x4096xf32, #tpu.memory_space<vmem>>
        %dma_wait3A_282 = tpu.memref_squeeze %dma_wait3A_281 : memref<1x4096xf32, #tpu.memory_space<vmem>> -> memref<4096xf32, #tpu.memory_space<vmem>>
        %dma_wait3A_283 = arith.constant 4096 : i32
        %dma_wait3A_284 = tpu.memref_slice %arg4[%add3A_36, %dma_wait3A_283] : memref<416x16384xf32, #tpu.memory_space<hbm>> -> memref<1x4096xf32, #tpu.memory_space<hbm>>
        %dma_wait3A_285 = tpu.memref_squeeze %dma_wait3A_284 : memref<1x4096xf32, #tpu.memory_space<hbm>> -> memref<4096xf32, #tpu.memory_space<hbm>>
        %dma_wait3A_286 = arith.constant 4096 : i32
        %dma_wait3A_287 = tpu.memref_slice %arg4[%add3A_36, %dma_wait3A_286] : memref<416x16384xf32, #tpu.memory_space<hbm>> -> memref<1x4096xf32, #tpu.memory_space<hbm>>
        %dma_wait3A_288 = tpu.memref_squeeze %dma_wait3A_287 : memref<1x4096xf32, #tpu.memory_space<hbm>> -> memref<4096xf32, #tpu.memory_space<hbm>>
        %dma_wait3A_289 = arith.constant 0 : i32
        %dma_wait3A_290 = tpu.memref_slice %arg7[%cond3A_164, %dma_wait3A_289] : memref<2x4096xf32, #tpu.memory_space<vmem>> -> memref<1x4096xf32, #tpu.memory_space<vmem>>
        %dma_wait3A_291 = tpu.memref_squeeze %dma_wait3A_290 : memref<1x4096xf32, #tpu.memory_space<vmem>> -> memref<4096xf32, #tpu.memory_space<vmem>>
        tpu.wait_dma2 semaphore(%arg12 : memref<!tpu.dma_semaphore, #tpu.memory_space<semaphore_mem>>) src(%dma_wait3A_291 : memref<4096xf32, #tpu.memory_space<vmem>>) dst(%dma_wait3A_288 : memref<4096xf32, #tpu.memory_space<hbm>>)
      } else {
      }
      %parallel_loop3A_167 = arith.constant 0 : i32
      %parallel_loop3A_168 = arith.constant 256 : i32
      %parallel_loop3A_169 = arith.constant 1 : i32
      scf.for %parallel_loop3A_280 = %parallel_loop3A_167 to %parallel_loop3A_168 step %parallel_loop3A_169  : i32 {
        %parallel_loop3A_281 = arith.constant 16 : i32
        %parallel_loop3A_282 = arith.muli %parallel_loop3A_280, %parallel_loop3A_281 : i32
        %parallel_loop3A_283 = arith.constant 1 : i32
        %parallel_loop3A_284 = arith.index_cast %parallel_loop3A_283 : i32 to index
        %parallel_loop3A_285 = arith.index_cast %parallel_loop3A_282 : i32 to index
        %parallel_loop3A_286 = tpu.vector_load %arg6[%parallel_loop3A_284, %parallel_loop3A_285] {strides = array<i32>} : memref<2x4096xi32, #tpu.memory_space<vmem>>, vector<16xi32>,
        %parallel_loop3A_287 = tpu.vector_load_idx %arg5[%parallel_loop3A_286] : memref<100000xf32, #tpu.memory_space<vmem>>[vector<16xi32>], vector<16xf32>,
        %parallel_loop3A_288 = arith.constant 1 : i32
        %parallel_loop3A_289 = arith.index_cast %parallel_loop3A_288 : i32 to index
        %parallel_loop3A_290 = arith.index_cast %parallel_loop3A_282 : i32 to index
        %parallel_loop3A_291 = tpu.vector_load %arg7[%parallel_loop3A_289, %parallel_loop3A_290] {strides = array<i32>} : memref<2x4096xf32, #tpu.memory_space<vmem>>, vector<16xf32>,
        tpu.vector_store %arg7[%parallel_loop3A_289, %parallel_loop3A_290], %parallel_loop3A_287 {strides = array<i32>} : memref<2x4096xf32, #tpu.memory_space<vmem>>, vector<16xf32>,
      } {sc.loop_unroll_factor = 8 : i64, sc.parallel_access}
      %dma_start3A_170 = arith.constant 1 : i32
      %dma_start3A_171 = arith.constant 0 : i32
      %dma_start3A_172 = tpu.memref_slice %arg7[%dma_start3A_170, %dma_start3A_171] : memref<2x4096xf32, #tpu.memory_space<vmem>> -> memref<1x4096xf32, #tpu.memory_space<vmem>>
      %dma_start3A_173 = tpu.memref_squeeze %dma_start3A_172 : memref<1x4096xf32, #tpu.memory_space<vmem>> -> memref<4096xf32, #tpu.memory_space<vmem>>
      %dma_start3A_174 = arith.constant 4096 : i32
      %dma_start3A_175 = tpu.memref_slice %arg4[%add3A_36, %dma_start3A_174] : memref<416x16384xf32, #tpu.memory_space<hbm>> -> memref<1x4096xf32, #tpu.memory_space<hbm>>
      %dma_start3A_176 = tpu.memref_squeeze %dma_start3A_175 : memref<1x4096xf32, #tpu.memory_space<hbm>> -> memref<4096xf32, #tpu.memory_space<hbm>>
      %dma_start3A_177 = arith.constant 4096 : i32
      %dma_start3A_178 = tpu.memref_slice %arg4[%add3A_36, %dma_start3A_177] : memref<416x16384xf32, #tpu.memory_space<hbm>> -> memref<1x4096xf32, #tpu.memory_space<hbm>>
      %dma_start3A_179 = tpu.memref_squeeze %dma_start3A_178 : memref<1x4096xf32, #tpu.memory_space<hbm>> -> memref<4096xf32, #tpu.memory_space<hbm>>
      %dma_start3A_180 = arith.constant 0 : i32
      %dma_start3A_181 = tpu.memref_slice %arg7[%dma_start3A_170, %dma_start3A_180] : memref<2x4096xf32, #tpu.memory_space<vmem>> -> memref<1x4096xf32, #tpu.memory_space<vmem>>
      %dma_start3A_182 = tpu.memref_squeeze %dma_start3A_181 : memref<1x4096xf32, #tpu.memory_space<vmem>> -> memref<4096xf32, #tpu.memory_space<vmem>>
      tpu.enqueue_dma source(%dma_start3A_182 : memref<4096xf32, #tpu.memory_space<vmem>>) target(%dma_start3A_179 : memref<4096xf32, #tpu.memory_space<hbm>>) target_semaphore(%arg12 : memref<!tpu.dma_semaphore, #tpu.memory_space<semaphore_mem>>)
      %dma_start3A_183 = arith.constant 1 : i32
      %dma_start3A_184 = arith.constant 0 : i32
      %dma_start3A_185 = tpu.memref_slice %arg6[%dma_start3A_183, %dma_start3A_184] : memref<2x4096xi32, #tpu.memory_space<vmem>> -> memref<1x4096xi32, #tpu.memory_space<vmem>>
      %dma_start3A_186 = tpu.memref_squeeze %dma_start3A_185 : memref<1x4096xi32, #tpu.memory_space<vmem>> -> memref<4096xi32, #tpu.memory_space<vmem>>
      %dma_start3A_187 = arith.constant 12288 : i32
      %dma_start3A_188 = tpu.memref_slice %arg2[%select_n3A, %dma_start3A_187] : memref<26x16384xi32, #tpu.memory_space<hbm>> -> memref<1x4096xi32, #tpu.memory_space<hbm>>
      %dma_start3A_189 = tpu.memref_squeeze %dma_start3A_188 : memref<1x4096xi32, #tpu.memory_space<hbm>> -> memref<4096xi32, #tpu.memory_space<hbm>>
      %dma_start3A_190 = arith.constant 0 : i32
      %dma_start3A_191 = tpu.memref_slice %arg6[%dma_start3A_183, %dma_start3A_190] : memref<2x4096xi32, #tpu.memory_space<vmem>> -> memref<1x4096xi32, #tpu.memory_space<vmem>>
      %dma_start3A_192 = tpu.memref_squeeze %dma_start3A_191 : memref<1x4096xi32, #tpu.memory_space<vmem>> -> memref<4096xi32, #tpu.memory_space<vmem>>
      %dma_start3A_193 = arith.constant 12288 : i32
      %dma_start3A_194 = tpu.memref_slice %arg2[%select_n3A, %dma_start3A_193] : memref<26x16384xi32, #tpu.memory_space<hbm>> -> memref<1x4096xi32, #tpu.memory_space<hbm>>
      %dma_start3A_195 = tpu.memref_squeeze %dma_start3A_194 : memref<1x4096xi32, #tpu.memory_space<hbm>> -> memref<4096xi32, #tpu.memory_space<hbm>>
      tpu.enqueue_dma source(%dma_start3A_195 : memref<4096xi32, #tpu.memory_space<hbm>>) target(%dma_start3A_192 : memref<4096xi32, #tpu.memory_space<vmem>>) target_semaphore(%arg10 : memref<!tpu.dma_semaphore, #tpu.memory_space<semaphore_mem>>)
      %dma_wait3A_196 = arith.constant 0 : i32
      %dma_wait3A_197 = arith.constant 0 : i32
      %dma_wait3A_198 = tpu.memref_slice %arg6[%dma_wait3A_196, %dma_wait3A_197] : memref<2x4096xi32, #tpu.memory_space<vmem>> -> memref<1x4096xi32, #tpu.memory_space<vmem>>
      %dma_wait3A_199 = tpu.memref_squeeze %dma_wait3A_198 : memref<1x4096xi32, #tpu.memory_space<vmem>> -> memref<4096xi32, #tpu.memory_space<vmem>>
      %dma_wait3A_200 = arith.constant 8192 : i32
      %dma_wait3A_201 = tpu.memref_slice %arg2[%select_n3A, %dma_wait3A_200] : memref<26x16384xi32, #tpu.memory_space<hbm>> -> memref<1x4096xi32, #tpu.memory_space<hbm>>
      %dma_wait3A_202 = tpu.memref_squeeze %dma_wait3A_201 : memref<1x4096xi32, #tpu.memory_space<hbm>> -> memref<4096xi32, #tpu.memory_space<hbm>>
      %dma_wait3A_203 = arith.constant 0 : i32
      %dma_wait3A_204 = tpu.memref_slice %arg6[%dma_wait3A_196, %dma_wait3A_203] : memref<2x4096xi32, #tpu.memory_space<vmem>> -> memref<1x4096xi32, #tpu.memory_space<vmem>>
      %dma_wait3A_205 = tpu.memref_squeeze %dma_wait3A_204 : memref<1x4096xi32, #tpu.memory_space<vmem>> -> memref<4096xi32, #tpu.memory_space<vmem>>
      %dma_wait3A_206 = arith.constant 8192 : i32
      %dma_wait3A_207 = tpu.memref_slice %arg2[%select_n3A, %dma_wait3A_206] : memref<26x16384xi32, #tpu.memory_space<hbm>> -> memref<1x4096xi32, #tpu.memory_space<hbm>>
      %dma_wait3A_208 = tpu.memref_squeeze %dma_wait3A_207 : memref<1x4096xi32, #tpu.memory_space<hbm>> -> memref<4096xi32, #tpu.memory_space<hbm>>
      tpu.wait_dma2 semaphore(%arg9 : memref<!tpu.dma_semaphore, #tpu.memory_space<semaphore_mem>>) src(%dma_wait3A_208 : memref<4096xi32, #tpu.memory_space<hbm>>) dst(%dma_wait3A_205 : memref<4096xi32, #tpu.memory_space<vmem>>)
      %dma_wait3A_209 = arith.constant 0 : i32
      %dma_wait3A_210 = arith.constant 0 : i32
      %dma_wait3A_211 = tpu.memref_slice %arg7[%dma_wait3A_209, %dma_wait3A_210] : memref<2x4096xf32, #tpu.memory_space<vmem>> -> memref<1x4096xf32, #tpu.memory_space<vmem>>
      %dma_wait3A_212 = tpu.memref_squeeze %dma_wait3A_211 : memref<1x4096xf32, #tpu.memory_space<vmem>> -> memref<4096xf32, #tpu.memory_space<vmem>>
      %dma_wait3A_213 = arith.constant 8192 : i32
      %dma_wait3A_214 = tpu.memref_slice %arg4[%add3A_36, %dma_wait3A_213] : memref<416x16384xf32, #tpu.memory_space<hbm>> -> memref<1x4096xf32, #tpu.memory_space<hbm>>
      %dma_wait3A_215 = tpu.memref_squeeze %dma_wait3A_214 : memref<1x4096xf32, #tpu.memory_space<hbm>> -> memref<4096xf32, #tpu.memory_space<hbm>>
      %dma_wait3A_216 = arith.constant 8192 : i32
      %dma_wait3A_217 = tpu.memref_slice %arg4[%add3A_36, %dma_wait3A_216] : memref<416x16384xf32, #tpu.memory_space<hbm>> -> memref<1x4096xf32, #tpu.memory_space<hbm>>
      %dma_wait3A_218 = tpu.memref_squeeze %dma_wait3A_217 : memref<1x4096xf32, #tpu.memory_space<hbm>> -> memref<4096xf32, #tpu.memory_space<hbm>>
      %dma_wait3A_219 = arith.constant 0 : i32
      %dma_wait3A_220 = tpu.memref_slice %arg7[%dma_wait3A_209, %dma_wait3A_219] : memref<2x4096xf32, #tpu.memory_space<vmem>> -> memref<1x4096xf32, #tpu.memory_space<vmem>>
      %dma_wait3A_221 = tpu.memref_squeeze %dma_wait3A_220 : memref<1x4096xf32, #tpu.memory_space<vmem>> -> memref<4096xf32, #tpu.memory_space<vmem>>
      tpu.wait_dma2 semaphore(%arg11 : memref<!tpu.dma_semaphore, #tpu.memory_space<semaphore_mem>>) src(%dma_wait3A_221 : memref<4096xf32, #tpu.memory_space<vmem>>) dst(%dma_wait3A_218 : memref<4096xf32, #tpu.memory_space<hbm>>)
      %parallel_loop3A_222 = arith.constant 0 : i32
      %parallel_loop3A_223 = arith.constant 256 : i32
      %parallel_loop3A_224 = arith.constant 1 : i32
      scf.for %parallel_loop3A_280 = %parallel_loop3A_222 to %parallel_loop3A_223 step %parallel_loop3A_224  : i32 {
        %parallel_loop3A_281 = arith.constant 16 : i32
        %parallel_loop3A_282 = arith.muli %parallel_loop3A_280, %parallel_loop3A_281 : i32
        %parallel_loop3A_283 = arith.constant 0 : i32
        %parallel_loop3A_284 = arith.index_cast %parallel_loop3A_283 : i32 to index
        %parallel_loop3A_285 = arith.index_cast %parallel_loop3A_282 : i32 to index
        %parallel_loop3A_286 = tpu.vector_load %arg6[%parallel_loop3A_284, %parallel_loop3A_285] {strides = array<i32>} : memref<2x4096xi32, #tpu.memory_space<vmem>>, vector<16xi32>,
        %parallel_loop3A_287 = tpu.vector_load_idx %arg5[%parallel_loop3A_286] : memref<100000xf32, #tpu.memory_space<vmem>>[vector<16xi32>], vector<16xf32>,
        %parallel_loop3A_288 = arith.constant 0 : i32
        %parallel_loop3A_289 = arith.index_cast %parallel_loop3A_288 : i32 to index
        %parallel_loop3A_290 = arith.index_cast %parallel_loop3A_282 : i32 to index
        %parallel_loop3A_291 = tpu.vector_load %arg7[%parallel_loop3A_289, %parallel_loop3A_290] {strides = array<i32>} : memref<2x4096xf32, #tpu.memory_space<vmem>>, vector<16xf32>,
        tpu.vector_store %arg7[%parallel_loop3A_289, %parallel_loop3A_290], %parallel_loop3A_287 {strides = array<i32>} : memref<2x4096xf32, #tpu.memory_space<vmem>>, vector<16xf32>,
      } {sc.loop_unroll_factor = 8 : i64, sc.parallel_access}
      %dma_start3A_225 = arith.constant 0 : i32
      %dma_start3A_226 = arith.constant 0 : i32
      %dma_start3A_227 = tpu.memref_slice %arg7[%dma_start3A_225, %dma_start3A_226] : memref<2x4096xf32, #tpu.memory_space<vmem>> -> memref<1x4096xf32, #tpu.memory_space<vmem>>
      %dma_start3A_228 = tpu.memref_squeeze %dma_start3A_227 : memref<1x4096xf32, #tpu.memory_space<vmem>> -> memref<4096xf32, #tpu.memory_space<vmem>>
      %dma_start3A_229 = arith.constant 8192 : i32
      %dma_start3A_230 = tpu.memref_slice %arg4[%add3A_36, %dma_start3A_229] : memref<416x16384xf32, #tpu.memory_space<hbm>> -> memref<1x4096xf32, #tpu.memory_space<hbm>>
      %dma_start3A_231 = tpu.memref_squeeze %dma_start3A_230 : memref<1x4096xf32, #tpu.memory_space<hbm>> -> memref<4096xf32, #tpu.memory_space<hbm>>
      %dma_start3A_232 = arith.constant 8192 : i32
      %dma_start3A_233 = tpu.memref_slice %arg4[%add3A_36, %dma_start3A_232] : memref<416x16384xf32, #tpu.memory_space<hbm>> -> memref<1x4096xf32, #tpu.memory_space<hbm>>
      %dma_start3A_234 = tpu.memref_squeeze %dma_start3A_233 : memref<1x4096xf32, #tpu.memory_space<hbm>> -> memref<4096xf32, #tpu.memory_space<hbm>>
      %dma_start3A_235 = arith.constant 0 : i32
      %dma_start3A_236 = tpu.memref_slice %arg7[%dma_start3A_225, %dma_start3A_235] : memref<2x4096xf32, #tpu.memory_space<vmem>> -> memref<1x4096xf32, #tpu.memory_space<vmem>>
      %dma_start3A_237 = tpu.memref_squeeze %dma_start3A_236 : memref<1x4096xf32, #tpu.memory_space<vmem>> -> memref<4096xf32, #tpu.memory_space<vmem>>
      tpu.enqueue_dma source(%dma_start3A_237 : memref<4096xf32, #tpu.memory_space<vmem>>) target(%dma_start3A_234 : memref<4096xf32, #tpu.memory_space<hbm>>) target_semaphore(%arg11 : memref<!tpu.dma_semaphore, #tpu.memory_space<semaphore_mem>>)
      %dma_wait3A_238 = arith.constant 1 : i32
      %dma_wait3A_239 = arith.constant 0 : i32
      %dma_wait3A_240 = tpu.memref_slice %arg6[%dma_wait3A_238, %dma_wait3A_239] : memref<2x4096xi32, #tpu.memory_space<vmem>> -> memref<1x4096xi32, #tpu.memory_space<vmem>>
      %dma_wait3A_241 = tpu.memref_squeeze %dma_wait3A_240 : memref<1x4096xi32, #tpu.memory_space<vmem>> -> memref<4096xi32, #tpu.memory_space<vmem>>
      %dma_wait3A_242 = arith.constant 12288 : i32
      %dma_wait3A_243 = tpu.memref_slice %arg2[%select_n3A, %dma_wait3A_242] : memref<26x16384xi32, #tpu.memory_space<hbm>> -> memref<1x4096xi32, #tpu.memory_space<hbm>>
      %dma_wait3A_244 = tpu.memref_squeeze %dma_wait3A_243 : memref<1x4096xi32, #tpu.memory_space<hbm>> -> memref<4096xi32, #tpu.memory_space<hbm>>
      %dma_wait3A_245 = arith.constant 0 : i32
      %dma_wait3A_246 = tpu.memref_slice %arg6[%dma_wait3A_238, %dma_wait3A_245] : memref<2x4096xi32, #tpu.memory_space<vmem>> -> memref<1x4096xi32, #tpu.memory_space<vmem>>
      %dma_wait3A_247 = tpu.memref_squeeze %dma_wait3A_246 : memref<1x4096xi32, #tpu.memory_space<vmem>> -> memref<4096xi32, #tpu.memory_space<vmem>>
      %dma_wait3A_248 = arith.constant 12288 : i32
      %dma_wait3A_249 = tpu.memref_slice %arg2[%select_n3A, %dma_wait3A_248] : memref<26x16384xi32, #tpu.memory_space<hbm>> -> memref<1x4096xi32, #tpu.memory_space<hbm>>
      %dma_wait3A_250 = tpu.memref_squeeze %dma_wait3A_249 : memref<1x4096xi32, #tpu.memory_space<hbm>> -> memref<4096xi32, #tpu.memory_space<hbm>>
      tpu.wait_dma2 semaphore(%arg10 : memref<!tpu.dma_semaphore, #tpu.memory_space<semaphore_mem>>) src(%dma_wait3A_250 : memref<4096xi32, #tpu.memory_space<hbm>>) dst(%dma_wait3A_247 : memref<4096xi32, #tpu.memory_space<vmem>>)
      %dma_wait3A_251 = arith.constant 1 : i32
      %dma_wait3A_252 = arith.constant 0 : i32
      %dma_wait3A_253 = tpu.memref_slice %arg7[%dma_wait3A_251, %dma_wait3A_252] : memref<2x4096xf32, #tpu.memory_space<vmem>> -> memref<1x4096xf32, #tpu.memory_space<vmem>>
      %dma_wait3A_254 = tpu.memref_squeeze %dma_wait3A_253 : memref<1x4096xf32, #tpu.memory_space<vmem>> -> memref<4096xf32, #tpu.memory_space<vmem>>
      %dma_wait3A_255 = arith.constant 12288 : i32
      %dma_wait3A_256 = tpu.memref_slice %arg4[%add3A_36, %dma_wait3A_255] : memref<416x16384xf32, #tpu.memory_space<hbm>> -> memref<1x4096xf32, #tpu.memory_space<hbm>>
      %dma_wait3A_257 = tpu.memref_squeeze %dma_wait3A_256 : memref<1x4096xf32, #tpu.memory_space<hbm>> -> memref<4096xf32, #tpu.memory_space<hbm>>
      %dma_wait3A_258 = arith.constant 12288 : i32
      %dma_wait3A_259 = tpu.memref_slice %arg4[%add3A_36, %dma_wait3A_258] : memref<416x16384xf32, #tpu.memory_space<hbm>> -> memref<1x4096xf32, #tpu.memory_space<hbm>>
      %dma_wait3A_260 = tpu.memref_squeeze %dma_wait3A_259 : memref<1x4096xf32, #tpu.memory_space<hbm>> -> memref<4096xf32, #tpu.memory_space<hbm>>
      %dma_wait3A_261 = arith.constant 0 : i32
      %dma_wait3A_262 = tpu.memref_slice %arg7[%dma_wait3A_251, %dma_wait3A_261] : memref<2x4096xf32, #tpu.memory_space<vmem>> -> memref<1x4096xf32, #tpu.memory_space<vmem>>
      %dma_wait3A_263 = tpu.memref_squeeze %dma_wait3A_262 : memref<1x4096xf32, #tpu.memory_space<vmem>> -> memref<4096xf32, #tpu.memory_space<vmem>>
      tpu.wait_dma2 semaphore(%arg12 : memref<!tpu.dma_semaphore, #tpu.memory_space<semaphore_mem>>) src(%dma_wait3A_263 : memref<4096xf32, #tpu.memory_space<vmem>>) dst(%dma_wait3A_260 : memref<4096xf32, #tpu.memory_space<hbm>>)
      %parallel_loop3A_264 = arith.constant 0 : i32
      %parallel_loop3A_265 = arith.constant 256 : i32
      %parallel_loop3A_266 = arith.constant 1 : i32
      scf.for %parallel_loop3A_280 = %parallel_loop3A_264 to %parallel_loop3A_265 step %parallel_loop3A_266  : i32 {
        %parallel_loop3A_281 = arith.constant 16 : i32
        %parallel_loop3A_282 = arith.muli %parallel_loop3A_280, %parallel_loop3A_281 : i32
        %parallel_loop3A_283 = arith.constant 1 : i32
        %parallel_loop3A_284 = arith.index_cast %parallel_loop3A_283 : i32 to index
        %parallel_loop3A_285 = arith.index_cast %parallel_loop3A_282 : i32 to index
        %parallel_loop3A_286 = tpu.vector_load %arg6[%parallel_loop3A_284, %parallel_loop3A_285] {strides = array<i32>} : memref<2x4096xi32, #tpu.memory_space<vmem>>, vector<16xi32>,
        %parallel_loop3A_287 = tpu.vector_load_idx %arg5[%parallel_loop3A_286] : memref<100000xf32, #tpu.memory_space<vmem>>[vector<16xi32>], vector<16xf32>,
        %parallel_loop3A_288 = arith.constant 1 : i32
        %parallel_loop3A_289 = arith.index_cast %parallel_loop3A_288 : i32 to index
        %parallel_loop3A_290 = arith.index_cast %parallel_loop3A_282 : i32 to index
        %parallel_loop3A_291 = tpu.vector_load %arg7[%parallel_loop3A_289, %parallel_loop3A_290] {strides = array<i32>} : memref<2x4096xf32, #tpu.memory_space<vmem>>, vector<16xf32>,
        tpu.vector_store %arg7[%parallel_loop3A_289, %parallel_loop3A_290], %parallel_loop3A_287 {strides = array<i32>} : memref<2x4096xf32, #tpu.memory_space<vmem>>, vector<16xf32>,
      } {sc.loop_unroll_factor = 8 : i64, sc.parallel_access}
      %dma_start3A_267 = arith.constant 1 : i32
      %dma_start3A_268 = arith.constant 0 : i32
      %dma_start3A_269 = tpu.memref_slice %arg7[%dma_start3A_267, %dma_start3A_268] : memref<2x4096xf32, #tpu.memory_space<vmem>> -> memref<1x4096xf32, #tpu.memory_space<vmem>>
      %dma_start3A_270 = tpu.memref_squeeze %dma_start3A_269 : memref<1x4096xf32, #tpu.memory_space<vmem>> -> memref<4096xf32, #tpu.memory_space<vmem>>
      %dma_start3A_271 = arith.constant 12288 : i32
      %dma_start3A_272 = tpu.memref_slice %arg4[%add3A_36, %dma_start3A_271] : memref<416x16384xf32, #tpu.memory_space<hbm>> -> memref<1x4096xf32, #tpu.memory_space<hbm>>
      %dma_start3A_273 = tpu.memref_squeeze %dma_start3A_272 : memref<1x4096xf32, #tpu.memory_space<hbm>> -> memref<4096xf32, #tpu.memory_space<hbm>>
      %dma_start3A_274 = arith.constant 12288 : i32
      %dma_start3A_275 = tpu.memref_slice %arg4[%add3A_36, %dma_start3A_274] : memref<416x16384xf32, #tpu.memory_space<hbm>> -> memref<1x4096xf32, #tpu.memory_space<hbm>>
      %dma_start3A_276 = tpu.memref_squeeze %dma_start3A_275 : memref<1x4096xf32, #tpu.memory_space<hbm>> -> memref<4096xf32, #tpu.memory_space<hbm>>
      %dma_start3A_277 = arith.constant 0 : i32
      %dma_start3A_278 = tpu.memref_slice %arg7[%dma_start3A_267, %dma_start3A_277] : memref<2x4096xf32, #tpu.memory_space<vmem>> -> memref<1x4096xf32, #tpu.memory_space<vmem>>
      %dma_start3A_279 = tpu.memref_squeeze %dma_start3A_278 : memref<1x4096xf32, #tpu.memory_space<vmem>> -> memref<4096xf32, #tpu.memory_space<vmem>>
      tpu.enqueue_dma source(%dma_start3A_279 : memref<4096xf32, #tpu.memory_space<vmem>>) target(%dma_start3A_276 : memref<4096xf32, #tpu.memory_space<hbm>>) target_semaphore(%arg12 : memref<!tpu.dma_semaphore, #tpu.memory_space<semaphore_mem>>)
    }
    %scan3A_5 = arith.constant 13 : i32
    %dma_wait3A = arith.constant 0 : i32
    %dma_wait3A_6 = arith.constant 415 : i32
    %dma_wait3A_7 = arith.constant 0 : i32
    %dma_wait3A_8 = tpu.memref_slice %arg7[%dma_wait3A, %dma_wait3A_7] : memref<2x4096xf32, #tpu.memory_space<vmem>> -> memref<1x4096xf32, #tpu.memory_space<vmem>>
    %dma_wait3A_9 = tpu.memref_squeeze %dma_wait3A_8 : memref<1x4096xf32, #tpu.memory_space<vmem>> -> memref<4096xf32, #tpu.memory_space<vmem>>
    %dma_wait3A_10 = arith.constant 0 : i32
    %dma_wait3A_11 = tpu.memref_slice %arg4[%dma_wait3A_6, %dma_wait3A_10] : memref<416x16384xf32, #tpu.memory_space<hbm>> -> memref<1x4096xf32, #tpu.memory_space<hbm>>
    %dma_wait3A_12 = tpu.memref_squeeze %dma_wait3A_11 : memref<1x4096xf32, #tpu.memory_space<hbm>> -> memref<4096xf32, #tpu.memory_space<hbm>>
    %dma_wait3A_13 = arith.constant 0 : i32
    %dma_wait3A_14 = tpu.memref_slice %arg4[%dma_wait3A_6, %dma_wait3A_13] : memref<416x16384xf32, #tpu.memory_space<hbm>> -> memref<1x4096xf32, #tpu.memory_space<hbm>>
    %dma_wait3A_15 = tpu.memref_squeeze %dma_wait3A_14 : memref<1x4096xf32, #tpu.memory_space<hbm>> -> memref<4096xf32, #tpu.memory_space<hbm>>
    %dma_wait3A_16 = arith.constant 0 : i32
    %dma_wait3A_17 = tpu.memref_slice %arg7[%dma_wait3A, %dma_wait3A_16] : memref<2x4096xf32, #tpu.memory_space<vmem>> -> memref<1x4096xf32, #tpu.memory_space<vmem>>
    %dma_wait3A_18 = tpu.memref_squeeze %dma_wait3A_17 : memref<1x4096xf32, #tpu.memory_space<vmem>> -> memref<4096xf32, #tpu.memory_space<vmem>>
    tpu.wait_dma2 semaphore(%arg11 : memref<!tpu.dma_semaphore, #tpu.memory_space<semaphore_mem>>) src(%dma_wait3A_18 : memref<4096xf32, #tpu.memory_space<vmem>>) dst(%dma_wait3A_15 : memref<4096xf32, #tpu.memory_space<hbm>>)
    %dma_wait3A_19 = arith.constant 1 : i32
    %dma_wait3A_20 = arith.constant 415 : i32
    %dma_wait3A_21 = arith.constant 0 : i32
    %dma_wait3A_22 = tpu.memref_slice %arg7[%dma_wait3A_19, %dma_wait3A_21] : memref<2x4096xf32, #tpu.memory_space<vmem>> -> memref<1x4096xf32, #tpu.memory_space<vmem>>
    %dma_wait3A_23 = tpu.memref_squeeze %dma_wait3A_22 : memref<1x4096xf32, #tpu.memory_space<vmem>> -> memref<4096xf32, #tpu.memory_space<vmem>>
    %dma_wait3A_24 = arith.constant 4096 : i32
    %dma_wait3A_25 = tpu.memref_slice %arg4[%dma_wait3A_20, %dma_wait3A_24] : memref<416x16384xf32, #tpu.memory_space<hbm>> -> memref<1x4096xf32, #tpu.memory_space<hbm>>
    %dma_wait3A_26 = tpu.memref_squeeze %dma_wait3A_25 : memref<1x4096xf32, #tpu.memory_space<hbm>> -> memref<4096xf32, #tpu.memory_space<hbm>>
    %dma_wait3A_27 = arith.constant 4096 : i32
    %dma_wait3A_28 = tpu.memref_slice %arg4[%dma_wait3A_20, %dma_wait3A_27] : memref<416x16384xf32, #tpu.memory_space<hbm>> -> memref<1x4096xf32, #tpu.memory_space<hbm>>
    %dma_wait3A_29 = tpu.memref_squeeze %dma_wait3A_28 : memref<1x4096xf32, #tpu.memory_space<hbm>> -> memref<4096xf32, #tpu.memory_space<hbm>>
    %dma_wait3A_30 = arith.constant 0 : i32
    %dma_wait3A_31 = tpu.memref_slice %arg7[%dma_wait3A_19, %dma_wait3A_30] : memref<2x4096xf32, #tpu.memory_space<vmem>> -> memref<1x4096xf32, #tpu.memory_space<vmem>>
    %dma_wait3A_32 = tpu.memref_squeeze %dma_wait3A_31 : memref<1x4096xf32, #tpu.memory_space<vmem>> -> memref<4096xf32, #tpu.memory_space<vmem>>
    tpu.wait_dma2 semaphore(%arg12 : memref<!tpu.dma_semaphore, #tpu.memory_space<semaphore_mem>>) src(%dma_wait3A_32 : memref<4096xf32, #tpu.memory_space<vmem>>) dst(%dma_wait3A_29 : memref<4096xf32, #tpu.memory_space<hbm>>)
    return
  }
}

</mosaic_0001>

<sc_bundles>
// kernel: kernel.3.cloned.1.call-start
scs
__scs_entry_jumppad:
0x0: {  	(pc) =	sbr.rel $0x88, $3  }
0x1: {  	(tag) =	ssettag $0x0;
	lr =	simm.s32 $0x1  }
0x2: {  	[smem:$0x3F9F] =	sst lr;
	_ =	strace $0xD0000000  }
0x3: {  	_ = 	snop  }
0x4: {  	_ = 	snop  }
0x5: {  	_ = 	snop  }
0x6: {  	_ = 	snop  }
0x7: {  	_ = 	snop  }
__scs_overlays_trampoline_lowered:
0x8: {  	[smem:$0x3FAE] =	sst s0  }
0x9: {  	[smem:$0x3FAF] =	sst s1  }
0xa: {  	[smem:$0x3FB0] =	sst s2  }
0xb: {  	[smem:$0x3FB1] =	sst s3  }
0xc: {  	[smem:$0x3FB2] =	sst s4  }
0xd: {  	[smem:$0x3FB3] =	sst s5  }
0xe: {  	[smem:$0x3FB4] =	sst s6  }
0xf: {  	[smem:$0x3FB5] =	sst s7  }
0x10: {  	[smem:$0x3FB6] =	sst s8  }
0x11: {  	[smem:$0x3FB7] =	sst s9;
	s0 =	simm.s32 @!p0 $0x0  }
0x12: {  	s1 =	sld [smem:$0x3F9D];
	s0 =	simm.s32 @p0 $0x1  }
0x13: {  	[smem:$0x3FB8] =	sst s0;
	s0 =	simm.s32 @!p1 $0x0  }
0x14: {  	s2 =	sld [smem:$0x3F9C];
	s0 =	simm.s32 @p1 $0x1  }
0x15: {  	[smem:$0x3FB9] =	sst s0;
	s0 =	simm.s32 @!p2 $0x0  }
0x16: {  	s3 =	sld [smem:$0x3FDB];
	s0 =	simm.s32 @p2 $0x1  }
0x17: {  	s4 =	simm.s32 $0x1BF5;
	[smem:$0x3FBB] =	sst s0  }
0x18: {  	s0 =	sld [smem:$0x3F9E];
	_ =	swait.ge [sflag:s4], $0x0  }
0x19: {  	s7 =	sld [smem:$0x3F9F]  }
0x1a: {  	s8 =	sadd.s32 $0xFFFFE003, lr  }
0x1b: {  	s9 =	sadd.s32 $0xFFFFFEF7, lr;
	s5 =	simm.s32 $0xFFFFFFFF;
	p2 =	slt.u32 s8, $0xFFFFF086  }
0x1c: {  	p1 =	slt.u32 s9, $0xF7A;
	s5 =	simm.s32 @!p2 $0x0  }
0x1d: {  	s5 =	simm.s32 @p1 $0x1;
	p0 =	seq.s32 s7, s2  }
0x1e: {  	s7 =	smul.u32 @!p0 $0xF7A, s2;
	p2 =	seq.s32 @!p0 s5, $0x0  }
0x1f: {  	s9 =	smul.u32 $0xF7A, s1;
	s8 =	simm.s32 @!p0 $0x1BF5;
	p2 =	por !p2, p0  }
0x20: {  	[sflag:s8] =	ssyncset.s32 @!p0 $0xFFFFF086;
	s6 =	sadd.s32 @!p0 s3, s7;
	s7 =	simm.s32 @!p0 $0x108  }
0x21: {  	s3 =	sadd.s32 s3, s9;
	s6 =	sadd.s32 @!p0 $0x88, s6;
	s7 =	simm.s32 @p2 $0x1082  }
0x22: {  	[simem:s7], [sflag:s8] =	dma.local @!p0 [hbm:s6], $0xF7A  }
0x23: {  	s9 =	sor.u32 $0xD0000000, s2;
	s6 =	simm.s32 $0x108;
	_ =	swait.ge @!p0 [sflag:s8], $0x0  }
0x24: {  	s3 =	sadd.s32 $0x88, s3;
	s6 =	simm.s32 @!p1 $0x1082;
	[sflag:s4] =	ssyncset.s32 $0xFFFFF086  }
0x25: {  	[simem:s6], [sflag:s4] =	dma.local [hbm:s3], $0xF7A  }
0x26: {  	[smem:$0x3F9F] =	sst s1;
	(tag) =	ssettag s2;
	_ =	strace s9  }
0x27: {  	s1 =	sld [smem:$0x3FAF]  }
0x28: {  	s2 =	sld [smem:$0x3FB0]  }
0x29: {  	s4 =	sld [smem:$0x3FB2]  }
0x2a: {  	p0 =	seq.s32 s5, $0x0;
	s5 =	sld [smem:$0x3FB3]  }
0x2b: {  	s6 =	sld [smem:$0x3FB4]  }
0x2c: {  	s7 =	sld [smem:$0x3FB5]  }
0x2d: {  	s3 =	simm.s32 $0x108;
	s8 =	sld [smem:$0x3FB6]  }
0x2e: {  	s3 =	simm.s32 @!p0 $0x1082;
	s9 =	sld [smem:$0x3FB7]  }
0x2f: {  	lr =	sadd.s32 s0, s3;
	s0 =	sld [smem:$0x3FAE]  }
0x30: {  	s3 =	sld [smem:$0x3FB1]  }
0x31: {  	[smem:$0x3FBA] =	sst s10  }
0x32: {  	s10 =	sld [smem:$0x3FB8];
	_ =	sdelay $0x3  }
0x33: {  	p0 =	seq.s32 s10, $0x1;
	s10 =	sld [smem:$0x3FBA];
	_ =	sdelay $0x3  }
0x34: {  	[smem:$0x3FBA] =	sst s10  }
0x35: {  	s10 =	sld [smem:$0x3FB9];
	_ =	sdelay $0x3  }
0x36: {  	p1 =	seq.s32 s10, $0x1;
	s10 =	sld [smem:$0x3FBA];
	_ =	sdelay $0x3  }
0x37: {  	[smem:$0x3FBA] =	sst s10  }
0x38: {  	s10 =	sld [smem:$0x3FBB]  }
0x39: {  	_ = 	snop;
	(pc) =	sbr.ind lr, $3  }
0x3a: {  	_ = 	snop  }
0x3b: {  	_ = 	snop  }
0x3c: {  	p2 =	seq.s32 s10, $0x1;
	s10 =	sld [smem:$0x3FBA]  }
0x3d: {  	_ =	shalt  }
0x3e: {  	_ =	shalt  }
0x3f: {  	_ =	shalt  }
0x40: {  	_ =	shalt  }
0x41: {  	_ =	shalt  }
0x42: {  	_ =	shalt  }
0x43: {  	_ =	shalt  }
0x44: {  	_ =	shalt  }
0x45: {  	_ =	shalt  }
0x46: {  	_ =	shalt  }
0x47: {  	_ =	shalt  }
0x48: {  	_ =	shalt  }
0x49: {  	_ =	shalt  }
0x4a: {  	_ =	shalt  }
0x4b: {  	_ =	shalt  }
0x4c: {  	_ =	shalt  }
0x4d: {  	_ =	shalt  }
0x4e: {  	_ =	shalt  }
0x4f: {  	_ =	shalt  }
0x50: {  	_ =	shalt  }
0x51: {  	_ =	shalt  }
0x52: {  	_ =	shalt  }
0x53: {  	_ =	shalt  }
0x54: {  	_ =	shalt  }
0x55: {  	_ =	shalt  }
0x56: {  	_ =	shalt  }
0x57: {  	_ =	shalt  }
0x58: {  	_ =	shalt  }
0x59: {  	_ =	shalt  }
0x5a: {  	_ =	shalt  }
0x5b: {  	_ =	shalt  }
0x5c: {  	_ =	shalt  }
0x5d: {  	_ =	shalt  }
0x5e: {  	_ =	shalt  }
0x5f: {  	_ =	shalt  }
0x60: {  	_ =	shalt  }
0x61: {  	_ =	shalt  }
0x62: {  	_ =	shalt  }
0x63: {  	_ =	shalt  }
0x64: {  	_ =	shalt  }
0x65: {  	_ =	shalt  }
0x66: {  	_ =	shalt  }
0x67: {  	_ =	shalt  }
0x68: {  	_ =	shalt  }
0x69: {  	_ =	shalt  }
0x6a: {  	_ =	shalt  }
0x6b: {  	_ =	shalt  }
0x6c: {  	_ =	shalt  }
0x6d: {  	_ =	shalt  }
0x6e: {  	_ =	shalt  }
0x6f: {  	_ =	shalt  }
0x70: {  	_ =	shalt  }
0x71: {  	_ =	shalt  }
0x72: {  	_ =	shalt  }
0x73: {  	_ =	shalt  }
0x74: {  	_ =	shalt  }
0x75: {  	_ =	shalt  }
0x76: {  	_ =	shalt  }
0x77: {  	_ =	shalt  }
0x78: {  	_ =	shalt  }
0x79: {  	_ =	shalt  }
0x7a: {  	_ =	shalt  }
0x7b: {  	_ =	shalt  }
0x7c: {  	_ =	shalt  }
0x7d: {  	_ =	shalt  }
0x7e: {  	_ =	shalt  }
0x7f: {  	_ =	shalt  }
0x80: {  	_ =	shalt  }
0x81: {  	_ =	shalt  }
0x82: {  	_ =	shalt  }
0x83: {  	_ =	shalt  }
0x84: {  	_ =	shalt  }
0x85: {  	_ =	shalt  }
0x86: {  	_ =	shalt  }
0x87: {  	_ =	shalt  }
.Lfunc_end0:
.L_simem_size_0:
called_computation_lowered:
.L_overlay_start_0:
0x88: {  	s2 =	sld [smem:$0x3FD9]  }
0x89: {  	s3 =	sld [smem:$0x3FFE];
	_ =	sdelay $0x1  }
0x8a: {  	s1 =	srdreg.scid  }
0x8b: {  	s0 =	sand.u32 $0x1, s1  }
0x8c: {  	s18 =	sshll.u32 s0, $0xA;
	s2 =	sadd.s32 s3, s2  }
0x8d: {  	s2 =	sadd.s32 s2, s18  }
0x8e: {  	[smem:$0x3FC6] =	sst s2  }
0x8f: {  	_ = 	snop  }
0x90: {  	s2 =	sld [smem:$0x3FC9]  }
0x91: {  	s19 =	sld [smem:$0x3FC8]  }
0x92: {  	s4 =	sld [smem:$0x3FD0];
	(tm) =	ssettm $0x1  }
0x93: {  	s5 =	sld [smem:$0x3FFB];
	_ =	sdelay $0x3  }
0x94: {  	_ =	strace s5  }
0x95: {  	s5 =	sld [smem:$0x3FFC];
	_ =	sdelay $0x3  }
0x96: {  	_ =	strace s5  }
0x97: {  	s5 =	sld [smem:$0x3FFD];
	_ =	sdelay $0x3  }
0x98: {  	_ =	strace s5  }
0x99: {  	_ =	strace $0x8FFFFFFF  }
0x9a: {  	s20 =	sld [smem:$0x3FDB];
	_ =	sdelay $0x1  }
0x9b: {  	s6 =	simm.s32 $_scs_section_size  }
0x9c: {  	s7 =	simm.s32 $_size__tile_overlayer_lowered;
	s8 =	simm.s32 $_tile_overlayer_lowered  }
0x9d: {  	s23 =	simm.s32 $0x1BFF;
	s22 =	sshll.u32 s8, $0x1;
	s5 =	sadd.s32 s6, s20  }
0x9e: {  	s9 =	simm.s32 $0x0;
	s21 =	sshll.u32 s7, $0x1;
	s7 =	sadd.s32 s22, s5  }
0x9f: {  	[timem:s9], [sflag:s23] =	dma.local [hbm:s7], s21  }
0xa0: {  	_ =	swait.ge [sflag:s23], s21  }
0xa1: {  	s6 =	ssub.s32 $0x0, s21;
	[sflag:s23] =	ssyncset.done $0x0  }
0xa2: {  	[sflag:s23] =	ssyncadd.s32 s6;
	_ =	sdelay $0x1  }
0xa3: {  	s24 =	simm.s32 $0x1B8B  }
0xa4: {  	_ =	swait.ge [sflag:s24], $0x1  }
0xa5: {  	[sflag:s24] =	ssyncset.done $0x0  }
0xa6: {  	s25 =	simm.s32 $0x1B8E;
	[sflag:s24] =	ssyncadd.s32 $0xFFFFFFFF  }
0xa7: {  	s26 =	simm.s32 $execute0_lowered;
	[smem:$0x3FD2] =	sst s25  }
0xa8: {  	s6 =	sshll.u32 s26, $0x1;
	_ =	strace $0x80000046;
	[dreg:$0x1] =	wrdreg $0xFFFFFFFF  }
0xa9: {  	s28 =	simm.s32 $_size_execute0_lowered;
	s5 =	sadd.s32 s5, s6;
	[dreg:$0x0] =	wrdreg $0x0  }
0xaa: {  	s6 =	sshll.u32 s28, $0x1;
	[dreg:$0x2] =	wrdreg s5  }
0xab: {  	[dreg:$0x3] =	wrdreg s6  }
0xac: {  	[dreg:$0x4] =	wrdreg $0xC0  }
0xad: {  	_ =	task [dreg:s9], $0x5FFFF  }
0xae: {  	[dreg:$0x1] =	wrdreg $0xFFFFFFFF  }
0xaf: {  	[dreg:$0x0] =	wrdreg $0x60  }
0xb0: {  	[dreg:$0x2] =	wrdreg s2  }
0xb1: {  	[dreg:$0x3] =	wrdreg s19  }
0xb2: {  	[dreg:$0x4] =	wrdreg s4  }
0xb3: {  	[dreg:$0x5] =	wrdreg $0x9  }
0xb4: {  	_ =	task.clear_ibuf [dreg:s9], $0x6FFFF;
	_ =	strace $0x90000046  }
0xb5: {  	s29 =	simm.s32 $0x9;
	_ =	strace $0x80000048  }
0xb6: {  	_ =	swait.ge [sflag:s29], $0x1  }
0xb7: {  	[sflag:s29] =	ssyncadd.s32 $0xFFFFFFFF  }
0xb8: {  	_ =	strace $0x90000048  }
0xb9: {  	_ =	sfence  }
0xba: {  	s30 =	sld [smem:$0x0];
	_ =	sdelay $0x2  }
0xbb: {  	s31 =	sshll.u32 s1, $0xD;
	s1 =	sshrl.u32 s1, $0x2  }
0xbc: {  	s3 =	sand.u32 $0x4000, s31;
	s1 =	sadd.s32 s1, s30  }
0xbd: {  	s0 =	sor.u32 s3, s0;
	s1 =	sshll.u32 s1, $0x11  }
0xbe: {  	s0 =	sor.u32 s1, s0  }
0xbf: {  	s0 =	sadd.s32 $0x8F2B, s0  }
0xc0: {  	[sflag:s0] =	ssyncadd.remote.s32 $0x1  }
0xc1: {  	_ =	sfence.sel $0xFFFF  }
0xc2: {  	[dreg:$0x0] =	wrdreg $0xFFFFFFFF;
	(pc) =	sbr.abs _section_cstart, $3  }
0xc3: {  	[dreg:$0x1] =	wrdreg $0xFFFFFFFF  }
0xc4: {  	_ =	task.clear_ibuf [dreg:s9], $0x2FFFF;
	_ =	strace $0x9FFFFFFF  }
0xc5: {  	(tm) =	ssettm $0x7FFFFFFF  }
tec
execute0_lowered:
.L_overlay_start_1:
0x0: {  	(tag) =	ssettag $0x1  }
0x1: {  	s1 =	rddreg [dreg:$0x0]  }
0x2: {  	s3 =	rddreg [dreg:$0x1]  }
0x3: {  	s4 =	rddreg [dreg:$0x2];
	s5 =	srdreg.scid  }
0x4: {  	s0 =	rddreg [dreg:$0x3];
	s2 =	stileid.u32;
	s14 =	simm.s32 $0x80  }
0x5: {  	s15 =	simm.s32 $0x400;
	s16 =	simm.s32 $0x1;
	s17 =	simm.s32 $0x2  }
0x6: {  	s18 =	simm.s32 $0x3;
	s19 =	simm.s32 $0x4;
	s20 =	simm.s32 $0x5  }
0x7: {  	s21 =	simm.s32 $0x0;
	s6 =	sand.u32 $0x1, s5;
	s5 =	simm.s32 $0x0  }
0x8: {  	s8 =	sshll.u32 s2, $0x1;
	s10 =	sadd.s32 $0x3000, s1;
	s11 =	sadd.s32 $0x2000, s4  }
0x9: {  	s12 =	sadd.s32 $0x3000, s4;
	s7 =	ssub.s32 $0x2, s6;
	[smem:$0x7FF] =	sst s5  }
0xa: {  	s6 =	sor.u32 s6, s8;
	s8 =	sadd.s32 $0x2000, s1;
	s9 =	sshrl.u32 s7, $0x1  }
0xb: {  	_ =	strace $0x80000047;
	s6 =	smul.u32 $0xD, s6;
	s13 =	ssub.s32 s7, s9  }
0xc: {  	s7 =	sadd.s32 $0x1000, s1;
	s9 =	sadd.s32 $0x1000, s4;
	s13 =	smax.u32 s13, $0x1  }
.LBB2_1:
0xd: {  	s22 =	simm.s32 $0x0  }
.LBB2_2:
0xe: {  	s23 =	sadd.s32 s6, s22  }
0xf: {  	s24 =	sshrl.u32 s23, $0x4;
	s25 =	sshll.u32 s23, $0x1C  }
0x10: {  	s24 =	smul.u32 $0x187000, s24;
	s25 =	sshra.s32 s25, $0x1F  }
0x11: {  	s26 =	sshll.u32 s23, $0x7;
	s25 =	sand.u32 $0xC3800, s25  }
0x12: {  	s24 =	sadd.s32 s24, s25;
	s25 =	sand.u32 $0x380, s26  }
0x13: {  	s24 =	sor.u32 s25, s24  }
0x14: {  	s24 =	sshrl.u32 s24, $0x3  }
0x15: {  	s28 =	simm.s32 $0x0;
	s24 =	sadd.s32 s3, s24  }
0x16: {  	[tilespmem:s28], [sflag:$0x1] =	stream.strided.gather [hbm4b:s24+s14], $0x18700, s15, s14, $0x38;
	[tilespmem:$0x1C700] =	vst v63  }
0x17: {  	s24 =	sand.u32 $0xFFFC000, s26;
	s26 =	sand.u32 $0x70, s23  }
0x18: {  	s24 =	sor.u32 s26, s24  }
0x19: {  	s29 =	simm.s32 $0x80;
	s26 =	sadd.s32 s1, s24  }
0x1a: {  	s30 =	simm.s32 $0x18800;
	s28 =	simm.s32 $0x18700;
	s31 =	sadd.s32 $0x0, s26  }
.LBB2_3:
0x1b: {  	[tilespmem:s28], [sflag:$0x2] =	stream.linear.gather [hbm4b:s31+s5], $0x80, $0x38;
	[tilespmem:$0x1C700] =	vst v63  }
0x1c: {  	s31 =	smov.u32 s29;
	s28 =	smov.u32 s30;
	p0 =	sne.s32 s29, $0xF80  }
.Ltmp0:
0x1d: {  	s29 =	sadd.s32 $0x80, s29;
	(pc) =	sbr.rel @p0 .LBB2_3-.Ltmp0, $2  }
0x1e: {  	_ =	sdelay $0x2  }
0x1f: {  	s30 =	sadd.s32 $0x100, s30;
	s31 =	sadd.s32 s31, s26  }
0x20: {  	[tilespmem:s28], [sflag:$0x2] =	stream.linear.gather [hbm4b:s31+s5], $0x80, $0x38;
	[tilespmem:$0x1C700] =	vst v63  }
0x21: {  	s26 =	sadd.s32 s24, s7;
	_ =	swait.ge [sflag:s16], $0x18700  }
0x22: {  	s28 =	simm.s32 $0x18780;
	s29 =	simm.s32 $0x80;
	[sflag:s16] =	ssyncset.done $0x0  }
0x23: {  	s30 =	simm.s32 $0x18880;
	s31 =	sadd.s32 $0x0, s26;
	[sflag:s16] =	ssyncadd.s32 $0xFFFE7900  }
.LBB2_5:
0x24: {  	[tilespmem:s28], [sflag:$0x3] =	stream.linear.gather [hbm4b:s31+s5], $0x80, $0x38;
	[tilespmem:$0x1C700] =	vst v63  }
0x25: {  	s31 =	smov.u32 s29;
	s28 =	smov.u32 s30;
	p0 =	sne.s32 s29, $0xF80  }
.Ltmp1:
0x26: {  	s29 =	sadd.s32 $0x80, s29;
	(pc) =	sbr.rel @p0 .LBB2_5-.Ltmp1, $2  }
0x27: {  	_ =	sdelay $0x2  }
0x28: {  	s30 =	sadd.s32 $0x100, s30;
	s31 =	sadd.s32 s31, s26  }
0x29: {  	[tilespmem:s28], [sflag:$0x3] =	stream.linear.gather [hbm4b:s31+s5], $0x80, $0x38;
	[tilespmem:$0x1C700] =	vst v63  }
0x2a: {  	_ =	swait.ge [sflag:s17], $0x1000  }
0x2b: {  	p0 =	seq.s32 s22, $0x0;
	[sflag:s17] =	ssyncset.done $0x0  }
0x2c: {  	s26 =	simm.s32 @!p0 $0x4;
	[sflag:s17] =	ssyncadd.s32 $0xFFFFF000  }
0x2d: {  	_ =	swait.ge @!p0 [sflag:s26], $0x1000  }
0x2e: {  	[sflag:s26] =	ssyncset.done @!p0 $0x0  }
0x2f: {  	s31 =	simm.s32 $0x18740;
	[sflag:s26] =	ssyncadd.s32 @!p0 $0xFFFFF000  }
0x30: {  	v0 =	vld [tilespmem:s31+$0x30]  }
0x31: {  	v1 =	vld [tilespmem:s31+$0xFFFFFFD0]  }
0x32: {  	v2 =	vld [tilespmem:s31+$0xFFFFFFE0]  }
0x33: {  	v3 =	vld [tilespmem:s31+$0xFFFFFFF0]  }
0x34: {  	v6 =	vld [tilespmem:s31+$0x0]  }
0x35: {  	v7 =	vld [tilespmem:s31+$0x10]  }
0x36: {  	v8 =	vld [tilespmem:s31+$0x20]  }
0x37: {  	v9 =	vld [tilespmem:s31+$0xFFFFFFC0]  }
0x38: {  	v10 =	vld.idx.msk [tilespmem:v0+s5+$0x0], $0xffff  }
0x39: {  	v11 =	vld.idx.msk [tilespmem:v1+s5+$0x0], $0xffff  }
0x3a: {  	v5 =	vld.idx.msk [tilespmem:v2+s5+$0x0], $0xffff  }
0x3b: {  	v4 =	vld.idx.msk [tilespmem:v3+s5+$0x0], $0xffff  }
0x3c: {  	v3 =	vld.idx.msk [tilespmem:v6+s5+$0x0], $0xffff  }
0x3d: {  	s26 =	simm.s32 $0x1A740;
	v2 =	vld.idx.msk [tilespmem:v7+s5+$0x0], $0xffff  }
0x3e: {  	v0 =	vld.idx.msk [tilespmem:v8+s5+$0x0], $0xffff;
	[tilespmem:s26+$0x30] =	vst v10  }
0x3f: {  	s28 =	simm.s32 $0x0;
	s29 =	simm.s32 $0x18840;
	v1 =	vld.idx.msk [tilespmem:v9+s5+$0x0], $0xffff;
	[tilespmem:s26+$0xFFFFFFD0] =	vst v11  }
.LBB2_7:
0x40: {  	v6 =	vld [tilespmem:s29+$0x30];
	s28 =	sadd.s32 $0x8, s28;
	[tilespmem:s26+$0xFFFFFFE0] =	vst v5  }
0x41: {  	v5 =	vld [tilespmem:s29+$0xFFFFFFD0];
	p1 =	slt.u32 s28, $0xF8;
	[tilespmem:s26+$0xFFFFFFF0] =	vst v4  }
0x42: {  	v4 =	vld [tilespmem:s29+$0xFFFFFFE0];
	[tilespmem:s26+$0x0] =	vst v3  }
0x43: {  	v3 =	vld [tilespmem:s29+$0xFFFFFFF0];
	[tilespmem:s26+$0x10] =	vst v2  }
0x44: {  	v2 =	vld [tilespmem:s29+$0x0];
	[tilespmem:s26+$0x20] =	vst v0  }
0x45: {  	v0 =	vld [tilespmem:s29+$0x10];
	[tilespmem:s26+$0xFFFFFFC0] =	vst v1  }
0x46: {  	v1 =	vld [tilespmem:s29+$0x20]  }
0x47: {  	v7 =	vld [tilespmem:s29+$0xFFFFFFC0]  }
0x48: {  	v6 =	vld.idx.msk [tilespmem:v6+s5+$0x0], $0xffff  }
0x49: {  	v8 =	vld.idx.msk [tilespmem:v5+s5+$0x0], $0xffff  }
0x4a: {  	v5 =	vld.idx.msk [tilespmem:v4+s5+$0x0], $0xffff  }
.Ltmp2:
0x4b: {  	v4 =	vld.idx.msk [tilespmem:v3+s5+$0x0], $0xffff;
	(pc) =	sbr.rel @p1 .LBB2_7-.Ltmp2, $4  }
0x4c: {  	v3 =	vld.idx.msk [tilespmem:v2+s5+$0x0], $0xffff  }
0x4d: {  	s26 =	sadd.s32 $0x100, s26;
	v2 =	vld.idx.msk [tilespmem:v0+s5+$0x0], $0xffff  }
0x4e: {  	v0 =	vld.idx.msk [tilespmem:v1+s5+$0x0], $0xffff;
	[tilespmem:s26+$0x30] =	vst v6  }
0x4f: {  	s29 =	sadd.s32 $0x100, s29;
	v1 =	vld.idx.msk [tilespmem:v7+s5+$0x0], $0xffff;
	[tilespmem:s26+$0xFFFFFFD0] =	vst v8  }
0x50: {  	[tilespmem:s26+$0xFFFFFFE0] =	vst v5;
	s23 =	sshll.u32 s23, $0xE  }
0x51: {  	[tilespmem:s26+$0xFFFFFFF0] =	vst v4;
	s23 =	sand.u32 $0x7FFE0000, s23  }
0x52: {  	[tilespmem:s26+$0x0] =	vst v3;
	s23 =	sor.u32 s25, s23  }
0x53: {  	[tilespmem:s26+$0x10] =	vst v2;
	s23 =	sshrl.u32 s23, $0x3  }
0x54: {  	s28 =	simm.s32 $0x1A700;
	[tilespmem:s26+$0x20] =	vst v0;
	s25 =	sadd.s32 s4, s23  }
0x55: {  	s29 =	simm.s32 $0x1A800;
	[tilespmem:s26+$0xFFFFFFC0] =	vst v1;
	s26 =	simm.s32 $0x80;
	s30 =	sadd.s32 $0x0, s25  }
.LBB2_9:
0x56: {  	[hbm4b:s30+s5] =	stream.linear.scatter [tilespmem:s28], [sflag:$0x4], $0x80, $0x38;
	[tilespmem:$0x1C700] =	vst v63  }
0x57: {  	s30 =	smov.u32 s26;
	s28 =	smov.u32 s29;
	p1 =	sne.s32 s26, $0xF80  }
.Ltmp3:
0x58: {  	s26 =	sadd.s32 $0x80, s26;
	(pc) =	sbr.rel @p1 .LBB2_9-.Ltmp3, $2  }
0x59: {  	_ =	sdelay $0x2  }
0x5a: {  	s29 =	sadd.s32 $0x100, s29;
	s30 =	sadd.s32 s30, s25  }
0x5b: {  	[hbm4b:s30+s5] =	stream.linear.scatter [tilespmem:s28], [sflag:$0x4], $0x80, $0x38;
	[tilespmem:$0x1C700] =	vst v63  }
0x5c: {  	s25 =	sadd.s32 s24, s8;
	s26 =	simm.s32 $0x18700  }
0x5d: {  	s28 =	simm.s32 $0x80;
	s29 =	simm.s32 $0x18800;
	s30 =	sadd.s32 $0x0, s25  }
.LBB2_11:
0x5e: {  	[tilespmem:s26], [sflag:$0x2] =	stream.linear.gather [hbm4b:s30+s5], $0x80, $0x38;
	[tilespmem:$0x1C700] =	vst v63  }
0x5f: {  	s30 =	smov.u32 s28;
	s26 =	smov.u32 s29;
	p1 =	sne.s32 s28, $0xF80  }
.Ltmp4:
0x60: {  	s28 =	sadd.s32 $0x80, s28;
	(pc) =	sbr.rel @p1 .LBB2_11-.Ltmp4, $2  }
0x61: {  	_ =	sdelay $0x2  }
0x62: {  	s29 =	sadd.s32 $0x100, s29;
	s30 =	sadd.s32 s30, s25  }
0x63: {  	[tilespmem:s26], [sflag:$0x2] =	stream.linear.gather [hbm4b:s30+s5], $0x80, $0x38;
	[tilespmem:$0x1C700] =	vst v63  }
0x64: {  	_ =	swait.ge [sflag:s18], $0x1000  }
0x65: {  	[sflag:s18] =	ssyncset.done $0x0  }
0x66: {  	s25 =	simm.s32 @!p0 $0x5;
	[sflag:s18] =	ssyncadd.s32 $0xFFFFF000  }
0x67: {  	_ =	swait.ge @!p0 [sflag:s25], $0x1000  }
0x68: {  	[sflag:s25] =	ssyncset.done @!p0 $0x0  }
0x69: {  	s31 =	simm.s32 $0x187F0;
	[sflag:s25] =	ssyncadd.s32 @!p0 $0xFFFFF000  }
0x6a: {  	v0 =	vld [tilespmem:s31+$0x0]  }
0x6b: {  	v1 =	vld [tilespmem:s31+$0xFFFFFFA0]  }
0x6c: {  	v2 =	vld [tilespmem:s31+$0xFFFFFFB0]  }
0x6d: {  	v3 =	vld [tilespmem:s31+$0xFFFFFFC0]  }
0x6e: {  	v6 =	vld [tilespmem:s31+$0xFFFFFFD0]  }
0x6f: {  	v7 =	vld [tilespmem:s31+$0xFFFFFFE0]  }
0x70: {  	v8 =	vld [tilespmem:s31+$0xFFFFFFF0]  }
0x71: {  	v9 =	vld [tilespmem:s31+$0xFFFFFF90]  }
0x72: {  	v10 =	vld.idx.msk [tilespmem:v0+s5+$0x0], $0xffff  }
0x73: {  	v11 =	vld.idx.msk [tilespmem:v1+s5+$0x0], $0xffff  }
0x74: {  	v5 =	vld.idx.msk [tilespmem:v2+s5+$0x0], $0xffff  }
0x75: {  	v4 =	vld.idx.msk [tilespmem:v3+s5+$0x0], $0xffff  }
0x76: {  	v0 =	vld.idx.msk [tilespmem:v6+s5+$0x0], $0xffff  }
0x77: {  	s25 =	simm.s32 $0x1A7F0;
	v1 =	vld.idx.msk [tilespmem:v7+s5+$0x0], $0xffff  }
0x78: {  	v2 =	vld.idx.msk [tilespmem:v8+s5+$0x0], $0xffff;
	[tilespmem:s25+$0x0] =	vst v10  }
0x79: {  	s26 =	simm.s32 $0x0;
	s28 =	simm.s32 $0x188F0;
	v3 =	vld.idx.msk [tilespmem:v9+s5+$0x0], $0xffff;
	[tilespmem:s25+$0xFFFFFFA0] =	vst v11  }
.LBB2_13:
0x7a: {  	v6 =	vld [tilespmem:s28+$0x0];
	s26 =	sadd.s32 $0x8, s26;
	[tilespmem:s25+$0xFFFFFFB0] =	vst v5  }
0x7b: {  	v5 =	vld [tilespmem:s28+$0xFFFFFFA0];
	p0 =	slt.u32 s26, $0xF8;
	[tilespmem:s25+$0xFFFFFFC0] =	vst v4  }
0x7c: {  	v4 =	vld [tilespmem:s28+$0xFFFFFFB0];
	[tilespmem:s25+$0xFFFFFFD0] =	vst v0  }
0x7d: {  	v0 =	vld [tilespmem:s28+$0xFFFFFFC0];
	[tilespmem:s25+$0xFFFFFFE0] =	vst v1  }
0x7e: {  	v1 =	vld [tilespmem:s28+$0xFFFFFFD0];
	[tilespmem:s25+$0xFFFFFFF0] =	vst v2  }
0x7f: {  	v2 =	vld [tilespmem:s28+$0xFFFFFFE0];
	[tilespmem:s25+$0xFFFFFF90] =	vst v3  }
0x80: {  	v3 =	vld [tilespmem:s28+$0xFFFFFFF0]  }
0x81: {  	v7 =	vld [tilespmem:s28+$0xFFFFFF90]  }
0x82: {  	v6 =	vld.idx.msk [tilespmem:v6+s5+$0x0], $0xffff  }
0x83: {  	v8 =	vld.idx.msk [tilespmem:v5+s5+$0x0], $0xffff  }
0x84: {  	v5 =	vld.idx.msk [tilespmem:v4+s5+$0x0], $0xffff  }
.Ltmp5:
0x85: {  	v4 =	vld.idx.msk [tilespmem:v0+s5+$0x0], $0xffff;
	(pc) =	sbr.rel @p0 .LBB2_13-.Ltmp5, $4  }
0x86: {  	v0 =	vld.idx.msk [tilespmem:v1+s5+$0x0], $0xffff  }
0x87: {  	s25 =	sadd.s32 $0x100, s25;
	v1 =	vld.idx.msk [tilespmem:v2+s5+$0x0], $0xffff  }
0x88: {  	v2 =	vld.idx.msk [tilespmem:v3+s5+$0x0], $0xffff;
	[tilespmem:s25+$0x0] =	vst v6  }
0x89: {  	s28 =	sadd.s32 $0x100, s28;
	v3 =	vld.idx.msk [tilespmem:v7+s5+$0x0], $0xffff;
	[tilespmem:s25+$0xFFFFFFA0] =	vst v8  }
0x8a: {  	[tilespmem:s25+$0xFFFFFFB0] =	vst v5  }
0x8b: {  	[tilespmem:s25+$0xFFFFFFC0] =	vst v4  }
0x8c: {  	[tilespmem:s25+$0xFFFFFFD0] =	vst v0  }
0x8d: {  	[tilespmem:s25+$0xFFFFFFE0] =	vst v1  }
0x8e: {  	s26 =	sadd.s32 s23, s9;
	s28 =	simm.s32 $0x1A780;
	[tilespmem:s25+$0xFFFFFFF0] =	vst v2  }
0x8f: {  	s29 =	simm.s32 $0x1A880;
	s30 =	sadd.s32 $0x0, s26;
	[tilespmem:s25+$0xFFFFFF90] =	vst v3;
	s25 =	simm.s32 $0x80  }
.LBB2_15:
0x90: {  	[hbm4b:s30+s5] =	stream.linear.scatter [tilespmem:s28], [sflag:$0x5], $0x80, $0x38;
	[tilespmem:$0x1C700] =	vst v63  }
0x91: {  	s30 =	smov.u32 s25;
	s28 =	smov.u32 s29;
	p0 =	sne.s32 s25, $0xF80  }
.Ltmp6:
0x92: {  	s25 =	sadd.s32 $0x80, s25;
	(pc) =	sbr.rel @p0 .LBB2_15-.Ltmp6, $2  }
0x93: {  	_ =	sdelay $0x2  }
0x94: {  	s29 =	sadd.s32 $0x100, s29;
	s30 =	sadd.s32 s30, s26  }
0x95: {  	[hbm4b:s30+s5] =	stream.linear.scatter [tilespmem:s28], [sflag:$0x5], $0x80, $0x38;
	[tilespmem:$0x1C700] =	vst v63  }
0x96: {  	s24 =	sadd.s32 s24, s10;
	s25 =	simm.s32 $0x18780  }
0x97: {  	s26 =	simm.s32 $0x80;
	s28 =	simm.s32 $0x18880;
	s29 =	sadd.s32 $0x0, s24  }
.LBB2_17:
0x98: {  	[tilespmem:s25], [sflag:$0x3] =	stream.linear.gather [hbm4b:s29+s5], $0x80, $0x38;
	[tilespmem:$0x1C700] =	vst v63  }
0x99: {  	s29 =	smov.u32 s26;
	s25 =	smov.u32 s28;
	p0 =	sne.s32 s26, $0xF80  }
.Ltmp7:
0x9a: {  	s26 =	sadd.s32 $0x80, s26;
	(pc) =	sbr.rel @p0 .LBB2_17-.Ltmp7, $2  }
0x9b: {  	_ =	sdelay $0x2  }
0x9c: {  	s28 =	sadd.s32 $0x100, s28;
	s29 =	sadd.s32 s29, s24  }
0x9d: {  	[tilespmem:s25], [sflag:$0x3] =	stream.linear.gather [hbm4b:s29+s5], $0x80, $0x38;
	[tilespmem:$0x1C700] =	vst v63  }
0x9e: {  	_ =	swait.ge [sflag:s17], $0x1000  }
0x9f: {  	[sflag:s17] =	ssyncset.done $0x0  }
0xa0: {  	[sflag:s17] =	ssyncadd.s32 $0xFFFFF000  }
0xa1: {  	_ =	swait.ge [sflag:s19], $0x1000  }
0xa2: {  	[sflag:s19] =	ssyncset.done $0x0  }
0xa3: {  	s26 =	simm.s32 $0x18740;
	[sflag:s19] =	ssyncadd.s32 $0xFFFFF000  }
0xa4: {  	v0 =	vld [tilespmem:s26+$0x30]  }
0xa5: {  	v1 =	vld [tilespmem:s26+$0xFFFFFFD0]  }
0xa6: {  	v2 =	vld [tilespmem:s26+$0xFFFFFFE0]  }
0xa7: {  	v3 =	vld [tilespmem:s26+$0xFFFFFFF0]  }
0xa8: {  	v4 =	vld [tilespmem:s26+$0x0]  }
0xa9: {  	v6 =	vld [tilespmem:s26+$0x10]  }
0xaa: {  	v7 =	vld [tilespmem:s26+$0x20]  }
0xab: {  	v8 =	vld [tilespmem:s26+$0xFFFFFFC0]  }
0xac: {  	v9 =	vld.idx.msk [tilespmem:v0+s5+$0x0], $0xffff  }
0xad: {  	v10 =	vld.idx.msk [tilespmem:v1+s5+$0x0], $0xffff  }
0xae: {  	v5 =	vld.idx.msk [tilespmem:v2+s5+$0x0], $0xffff  }
0xaf: {  	v3 =	vld.idx.msk [tilespmem:v3+s5+$0x0], $0xffff  }
0xb0: {  	v2 =	vld.idx.msk [tilespmem:v4+s5+$0x0], $0xffff  }
0xb1: {  	s25 =	simm.s32 $0x1A740;
	v0 =	vld.idx.msk [tilespmem:v6+s5+$0x0], $0xffff  }
0xb2: {  	v1 =	vld.idx.msk [tilespmem:v7+s5+$0x0], $0xffff;
	[tilespmem:s25+$0x30] =	vst v9  }
0xb3: {  	s24 =	sadd.s32 s23, s11;
	s28 =	simm.s32 $0x18840;
	s26 =	simm.s32 $0x0;
	v4 =	vld.idx.msk [tilespmem:v8+s5+$0x0], $0xffff;
	[tilespmem:s25+$0xFFFFFFD0] =	vst v10  }
.LBB2_19:
0xb4: {  	v6 =	vld [tilespmem:s28+$0x30];
	s26 =	sadd.s32 $0x8, s26;
	[tilespmem:s25+$0xFFFFFFE0] =	vst v5  }
0xb5: {  	v5 =	vld [tilespmem:s28+$0xFFFFFFD0];
	p0 =	slt.u32 s26, $0xF8;
	[tilespmem:s25+$0xFFFFFFF0] =	vst v3  }
0xb6: {  	v3 =	vld [tilespmem:s28+$0xFFFFFFE0];
	[tilespmem:s25+$0x0] =	vst v2  }
0xb7: {  	v2 =	vld [tilespmem:s28+$0xFFFFFFF0];
	[tilespmem:s25+$0x10] =	vst v0  }
0xb8: {  	v0 =	vld [tilespmem:s28+$0x0];
	[tilespmem:s25+$0x20] =	vst v1  }
0xb9: {  	v1 =	vld [tilespmem:s28+$0x10];
	[tilespmem:s25+$0xFFFFFFC0] =	vst v4  }
0xba: {  	v4 =	vld [tilespmem:s28+$0x20]  }
0xbb: {  	v7 =	vld [tilespmem:s28+$0xFFFFFFC0]  }
0xbc: {  	v6 =	vld.idx.msk [tilespmem:v6+s5+$0x0], $0xffff  }
0xbd: {  	v8 =	vld.idx.msk [tilespmem:v5+s5+$0x0], $0xffff  }
0xbe: {  	v5 =	vld.idx.msk [tilespmem:v3+s5+$0x0], $0xffff  }
.Ltmp8:
0xbf: {  	v3 =	vld.idx.msk [tilespmem:v2+s5+$0x0], $0xffff;
	(pc) =	sbr.rel @p0 .LBB2_19-.Ltmp8, $4  }
0xc0: {  	v2 =	vld.idx.msk [tilespmem:v0+s5+$0x0], $0xffff  }
0xc1: {  	s25 =	sadd.s32 $0x100, s25;
	v0 =	vld.idx.msk [tilespmem:v1+s5+$0x0], $0xffff  }
0xc2: {  	v1 =	vld.idx.msk [tilespmem:v4+s5+$0x0], $0xffff;
	[tilespmem:s25+$0x30] =	vst v6  }
0xc3: {  	s28 =	sadd.s32 $0x100, s28;
	v4 =	vld.idx.msk [tilespmem:v7+s5+$0x0], $0xffff;
	[tilespmem:s25+$0xFFFFFFD0] =	vst v8  }
0xc4: {  	[tilespmem:s25+$0xFFFFFFE0] =	vst v5  }
0xc5: {  	[tilespmem:s25+$0xFFFFFFF0] =	vst v3  }
0xc6: {  	[tilespmem:s25+$0x0] =	vst v2  }
0xc7: {  	[tilespmem:s25+$0x10] =	vst v0  }
0xc8: {  	s26 =	simm.s32 $0x80;
	[tilespmem:s25+$0x20] =	vst v1  }
0xc9: {  	s29 =	sadd.s32 $0x0, s24;
	s28 =	simm.s32 $0x1A800;
	[tilespmem:s25+$0xFFFFFFC0] =	vst v4;
	s25 =	simm.s32 $0x1A700  }
.LBB2_21:
0xca: {  	[hbm4b:s29+s5] =	stream.linear.scatter [tilespmem:s25], [sflag:$0x4], $0x80, $0x38;
	[tilespmem:$0x1C700] =	vst v63  }
0xcb: {  	s29 =	smov.u32 s26;
	s25 =	smov.u32 s28;
	p0 =	sne.s32 s26, $0xF80  }
.Ltmp9:
0xcc: {  	s26 =	sadd.s32 $0x80, s26;
	(pc) =	sbr.rel @p0 .LBB2_21-.Ltmp9, $2  }
0xcd: {  	_ =	sdelay $0x2  }
0xce: {  	s28 =	sadd.s32 $0x100, s28;
	s29 =	sadd.s32 s29, s24  }
0xcf: {  	[hbm4b:s29+s5] =	stream.linear.scatter [tilespmem:s25], [sflag:$0x4], $0x80, $0x38;
	[tilespmem:$0x1C700] =	vst v63  }
0xd0: {  	_ =	swait.ge [sflag:s18], $0x1000  }
0xd1: {  	[sflag:s18] =	ssyncset.done $0x0  }
0xd2: {  	[sflag:s18] =	ssyncadd.s32 $0xFFFFF000  }
0xd3: {  	_ =	swait.ge [sflag:s20], $0x1000  }
0xd4: {  	[sflag:s20] =	ssyncset.done $0x0  }
0xd5: {  	s31 =	simm.s32 $0x187F0;
	[sflag:s20] =	ssyncadd.s32 $0xFFFFF000  }
0xd6: {  	v0 =	vld [tilespmem:s31+$0x0]  }
0xd7: {  	v1 =	vld [tilespmem:s31+$0xFFFFFFA0]  }
0xd8: {  	v2 =	vld [tilespmem:s31+$0xFFFFFFB0]  }
0xd9: {  	v3 =	vld [tilespmem:s31+$0xFFFFFFC0]  }
0xda: {  	v4 =	vld [tilespmem:s31+$0xFFFFFFD0]  }
0xdb: {  	v6 =	vld [tilespmem:s31+$0xFFFFFFE0]  }
0xdc: {  	v7 =	vld [tilespmem:s31+$0xFFFFFFF0]  }
0xdd: {  	v8 =	vld [tilespmem:s31+$0xFFFFFF90]  }
0xde: {  	v9 =	vld.idx.msk [tilespmem:v0+s5+$0x0], $0xffff  }
0xdf: {  	v10 =	vld.idx.msk [tilespmem:v1+s5+$0x0], $0xffff  }
0xe0: {  	v5 =	vld.idx.msk [tilespmem:v2+s5+$0x0], $0xffff  }
0xe1: {  	v3 =	vld.idx.msk [tilespmem:v3+s5+$0x0], $0xffff  }
0xe2: {  	v2 =	vld.idx.msk [tilespmem:v4+s5+$0x0], $0xffff  }
0xe3: {  	s24 =	simm.s32 $0x1A7F0;
	v0 =	vld.idx.msk [tilespmem:v6+s5+$0x0], $0xffff  }
0xe4: {  	v1 =	vld.idx.msk [tilespmem:v7+s5+$0x0], $0xffff;
	[tilespmem:s24+$0x0] =	vst v9  }
0xe5: {  	s23 =	sadd.s32 s23, s12;
	s25 =	simm.s32 $0x0;
	s26 =	simm.s32 $0x188F0;
	v4 =	vld.idx.msk [tilespmem:v8+s5+$0x0], $0xffff;
	[tilespmem:s24+$0xFFFFFFA0] =	vst v10  }
.LBB2_23:
0xe6: {  	v6 =	vld [tilespmem:s26+$0x0];
	s25 =	sadd.s32 $0x8, s25;
	[tilespmem:s24+$0xFFFFFFB0] =	vst v5  }
0xe7: {  	v5 =	vld [tilespmem:s26+$0xFFFFFFA0];
	p0 =	slt.u32 s25, $0xF8;
	[tilespmem:s24+$0xFFFFFFC0] =	vst v3  }
0xe8: {  	v3 =	vld [tilespmem:s26+$0xFFFFFFB0];
	[tilespmem:s24+$0xFFFFFFD0] =	vst v2  }
0xe9: {  	v2 =	vld [tilespmem:s26+$0xFFFFFFC0];
	[tilespmem:s24+$0xFFFFFFE0] =	vst v0  }
0xea: {  	v0 =	vld [tilespmem:s26+$0xFFFFFFD0];
	[tilespmem:s24+$0xFFFFFFF0] =	vst v1  }
0xeb: {  	v1 =	vld [tilespmem:s26+$0xFFFFFFE0];
	[tilespmem:s24+$0xFFFFFF90] =	vst v4  }
0xec: {  	v4 =	vld [tilespmem:s26+$0xFFFFFFF0]  }
0xed: {  	v7 =	vld [tilespmem:s26+$0xFFFFFF90]  }
0xee: {  	v6 =	vld.idx.msk [tilespmem:v6+s5+$0x0], $0xffff  }
0xef: {  	v8 =	vld.idx.msk [tilespmem:v5+s5+$0x0], $0xffff  }
0xf0: {  	v5 =	vld.idx.msk [tilespmem:v3+s5+$0x0], $0xffff  }
.Ltmp10:
0xf1: {  	v3 =	vld.idx.msk [tilespmem:v2+s5+$0x0], $0xffff;
	(pc) =	sbr.rel @p0 .LBB2_23-.Ltmp10, $4  }
0xf2: {  	v2 =	vld.idx.msk [tilespmem:v0+s5+$0x0], $0xffff  }
0xf3: {  	s24 =	sadd.s32 $0x100, s24;
	v0 =	vld.idx.msk [tilespmem:v1+s5+$0x0], $0xffff  }
0xf4: {  	v1 =	vld.idx.msk [tilespmem:v4+s5+$0x0], $0xffff;
	[tilespmem:s24+$0x0] =	vst v6  }
0xf5: {  	s26 =	sadd.s32 $0x100, s26;
	v4 =	vld.idx.msk [tilespmem:v7+s5+$0x0], $0xffff;
	[tilespmem:s24+$0xFFFFFFA0] =	vst v8  }
0xf6: {  	[tilespmem:s24+$0xFFFFFFB0] =	vst v5  }
0xf7: {  	[tilespmem:s24+$0xFFFFFFC0] =	vst v3  }
0xf8: {  	[tilespmem:s24+$0xFFFFFFD0] =	vst v2  }
0xf9: {  	[tilespmem:s24+$0xFFFFFFE0] =	vst v0  }
0xfa: {  	s25 =	simm.s32 $0x80;
	[tilespmem:s24+$0xFFFFFFF0] =	vst v1  }
0xfb: {  	s28 =	sadd.s32 $0x0, s23;
	s26 =	simm.s32 $0x1A880;
	[tilespmem:s24+$0xFFFFFF90] =	vst v4;
	s24 =	simm.s32 $0x1A780  }
.LBB2_25:
0xfc: {  	[hbm4b:s28+s5] =	stream.linear.scatter [tilespmem:s24], [sflag:$0x5], $0x80, $0x38;
	[tilespmem:$0x1C700] =	vst v63  }
0xfd: {  	s28 =	smov.u32 s25;
	s24 =	smov.u32 s26;
	p0 =	sne.s32 s25, $0xF80  }
.Ltmp11:
0xfe: {  	s25 =	sadd.s32 $0x80, s25;
	(pc) =	sbr.rel @p0 .LBB2_25-.Ltmp11, $2  }
0xff: {  	_ =	sdelay $0x2  }
0x100: {  	s26 =	sadd.s32 $0x100, s26;
	s28 =	sadd.s32 s28, s23  }
0x101: {  	s22 =	sadd.s32 $0x1, s22  }
0x102: {  	p0 =	sne.s32 s22, $0xD  }
.Ltmp12:
0x103: {  	_ = 	snop;
	(pc) =	sbr.rel @p0 .LBB2_2-.Ltmp12, $2  }
0x104: {  	_ =	sdelay $0x2  }
0x105: {  	[hbm4b:s28+s5] =	stream.linear.scatter [tilespmem:s24], [sflag:$0x5], $0x80, $0x38;
	[tilespmem:$0x1C700] =	vst v63  }
0x106: {  	s21 =	sadd.s32 $0x1, s21  }
0x107: {  	_ =	swait.ge [sflag:s19], $0x1000;
	p0 =	sne.s32 s21, s13  }
.Ltmp13:
0x108: {  	[sflag:s19] =	ssyncset.done $0x0;
	(pc) =	sbr.rel @p0 .LBB2_1-.Ltmp13, $4  }
0x109: {  	[sflag:s19] =	ssyncadd.s32 $0xFFFFF000  }
0x10a: {  	_ =	swait.ge [sflag:s20], $0x1000  }
0x10b: {  	[sflag:s20] =	ssyncset.done $0x0  }
0x10c: {  	[sflag:s20] =	ssyncadd.s32 $0xFFFFF000  }
0x10d: {  	_ =	sfence.sel $0x180000  }
0x10e: {  	[bflag:$0x0] =	sbarrier.arrive $0xFFFF  }
0x10f: {  	p0 =	sne.s32 s2, $0x0;
	_ =	strace $0x90000047  }
0x110: {  	s0 =	sadd.s32 @!p0 $0x100000, s0;
	[bflag:$0x2] =	sbarrier.arrive $0xFFFF  }
0x111: {  	[sflag:s0] =	ssyncadd.tile.s32 @!p0 $0x1;
	_ =	shalt  }
.Lfunc_end2:
_tile_overlayer_lowered:
.L_overlay_start_2:
0x112: {  	(tag) =	ssettag $0x2  }
0x113: {  	s0 =	rddreg [dreg:$0x0];
	s2 =	stileid.u32  }
0x114: {  	s1 =	rddreg [dreg:$0x1];
	p0 =	sne.s32 s2, $0x0  }
0x115: {  	s3 =	rddreg [dreg:$0x2];
	[bflag:$0x3] =	sbarrier.arrive $0xFFFF;
	s2 =	simm.s32 @!p0 $0x1C06  }
0x116: {  	[timem:s3], [sflag:s2] =	dma.local @!p0 [hbm:s0], s1  }
0x117: {  	s0 =	simm.s32 @!p0 $0x6  }
0x118: {  	_ =	swait.ge @!p0 [sflag:s0], s1  }
0x119: {  	s1 =	ssub.s32 @!p0 $0x0, s1;
	[sflag:s0] =	ssyncset.done @!p0 $0x0  }
0x11a: {  	[sflag:s0] =	ssyncadd.s32 @!p0 s1  }
0x11b: {  	[bflag:$0x3] =	sbarrier.arrive $0xFFFF  }
0x11c: {  	_ =	shalt  }

</sc_bundles>
